<compile_context>
chip_gen: v7x
topology: tpu7x:2x2x1
jax: 0.10.2.dev20260603
libtpu: 0.0.44.dev20260713+nightly
codegen_flags: <defaults>
</compile_context>

<pallas_src>
import functools

import jax
import jax.numpy as jnp
from jax import lax
from jax.experimental import pallas as pl
from jax.experimental.pallas import tpu as pltpu
from jax.experimental.pallas import tpu_sc as plsc

N = 10000
E = 320000
D_IN = 128
D_HID = 16
D_OUT = 40

N_PAD = 10240
NW = 32
CHUNK = 128
CPW = -(-E // (NW * CHUNK))
E_PAD = NW * CHUNK * CPW
NPS = N_PAD // 16

_f32 = jnp.float32
_i32 = jnp.int32


def _mesh():
    return plsc.VectorSubcoreMesh(core_axis_name="c", subcore_axis_name="s")


_SC_PARAMS = pltpu.CompilerParams(needs_layout_passes=False)


def _zero_rows(rows_v, d):
    def body(g, carry):
        for t in range(d // 16):
            rows_v[g, pl.ds(t * 16, 16)] = jnp.zeros((16,), _f32)
        return carry
    lax.fori_loop(0, CHUNK, body, 0)


def _zero_acc(rows_v, acc, s):
    for b in range(NPS // CHUNK):
        pltpu.sync_copy(rows_v, acc.at[pl.ds(s * NPS + b * CHUNK, CHUNK)])


@functools.partial(
    pl.kernel,
    out_type=jax.ShapeDtypeStruct((2 * N_PAD, 16), _f32),
    mesh=_mesh(),
    compiler_params=_SC_PARAMS,
    scratch_types=[
        pltpu.VMEM_SHARED((N_PAD, 16), _f32),
        pltpu.VMEM((CHUNK,), _i32),
        pltpu.VMEM((CHUNK,), _f32),
        pltpu.VMEM((CHUNK, 16), _f32),
    ],
)
def _sc_degree(dst_hbm, ew_hbm, out_hbm, acc, dst_v, ew_v, rows_v):
    c = lax.axis_index("c")
    s = lax.axis_index("s")
    _zero_rows(rows_v, 16)
    _zero_acc(rows_v, acc, s)
    plsc.subcore_barrier()
    w = s * 2 + c

    def chunk(j, carry):
        r = w * CPW + j
        pltpu.sync_copy(dst_hbm.at[r], dst_v)
        pltpu.sync_copy(ew_hbm.at[r], ew_v)
        def fill(g, cc):
            m = plsc.load_gather(ew_v, [jnp.full((16,), g, _i32)])
            rows_v[g, :] = m
            return cc

        lax.fori_loop(0, CHUNK, fill, 0, unroll=4)
        pltpu.sync_copy(rows_v, acc.at[dst_v], add=True)
        return carry

    lax.fori_loop(0, CPW, chunk, 0)
    plsc.subcore_barrier()
    pltpu.sync_copy(acc.at[pl.ds(s * NPS, NPS)],
                    out_hbm.at[pl.ds(c * N_PAD + s * NPS, NPS)])


def _make_sc_agg(d):
    @functools.partial(
        pl.kernel,
        out_type=jax.ShapeDtypeStruct((2 * N_PAD, d), _f32),
        mesh=_mesh(),
        compiler_params=_SC_PARAMS,
        scratch_types=[
            pltpu.VMEM_SHARED((N_PAD, d), _f32),
            pltpu.VMEM_SHARED((N_PAD, d), _f32),
            pltpu.VMEM((CHUNK,), _i32),
            pltpu.VMEM((CHUNK,), _i32),
            pltpu.VMEM((CHUNK,), _f32),
            pltpu.VMEM((CHUNK, d), _f32),
            pltpu.SemaphoreType.DMA,
        ],
    )
    def sc_agg(xw_hbm, src_hbm, dst_hbm, ew_hbm, out_hbm,
               acc, tab_sh, src_v, dst_v, ew_v, rows_v, sem):
        c = lax.axis_index("c")
        s = lax.axis_index("s")
        pltpu.sync_copy(xw_hbm.at[pl.ds(s * NPS, NPS)],
                        tab_sh.at[pl.ds(s * NPS, NPS)])
        _zero_rows(rows_v, d)
        _zero_acc(rows_v, acc, s)
        plsc.subcore_barrier()
        w = s * 2 + c

        def chunk(j, carry):
            r = w * CPW + j
            pltpu.sync_copy(src_hbm.at[r], src_v)
            pltpu.sync_copy(dst_hbm.at[r], dst_v)
            pltpu.sync_copy(ew_hbm.at[r], ew_v)
            pltpu.async_copy(tab_sh.at[src_v], rows_v, sem).wait()

            def scale(g, cc):
                m = plsc.load_gather(ew_v, [jnp.full((16,), g, _i32)])
                for t in range(d // 16):
                    rows_v[g, pl.ds(t * 16, 16)] = (
                        rows_v[g, pl.ds(t * 16, 16)] * m)
                return cc

            lax.fori_loop(0, CHUNK, scale, 0, unroll=4)
            pltpu.sync_copy(rows_v, acc.at[dst_v], add=True)
            return carry

        lax.fori_loop(0, CPW, chunk, 0)
        plsc.subcore_barrier()
        pltpu.sync_copy(acc.at[pl.ds(s * NPS, NPS)],
                        out_hbm.at[pl.ds(c * N_PAD + s * NPS, NPS)])

    return sc_agg


_sc_agg16 = _make_sc_agg(16)
_sc_agg48 = _make_sc_agg(48)


def _tc1_body(deg_ref, x_ref, w_ref, dinv_ref, xw1_ref, xw1s_ref):
    deg = deg_ref[0:N_PAD, 0:1] + deg_ref[N_PAD:2 * N_PAD, 0:1] + 1.0
    dinv = lax.rsqrt(deg)
    xw = jnp.dot(x_ref[...], w_ref[...], preferred_element_type=_f32)
    dinv_ref[...] = dinv
    xw1_ref[...] = xw
    xw1s_ref[...] = xw * dinv


def _tc2_body(agg_ref, xw1_ref, dinv_ref, w_ref, b_ref, xw2_ref, xw2s_ref):
    dinv = dinv_ref[...]
    aggsum = agg_ref[0:N_PAD, :] + agg_ref[N_PAD:2 * N_PAD, :]
    h = dinv * aggsum + dinv * dinv * xw1_ref[...] + b_ref[...]
    xw2 = jnp.dot(h, w_ref[...], preferred_element_type=_f32)
    xw2_ref[...] = xw2
    xw2s_ref[...] = xw2 * dinv


def _tc3_body(agg_ref, xw2_ref, dinv_ref, b_ref, out_ref):
    dinv = dinv_ref[...]
    aggsum = agg_ref[0:N_PAD, :] + agg_ref[N_PAD:2 * N_PAD, :]
    out_ref[...] = dinv * aggsum + dinv * dinv * xw2_ref[...] + b_ref[...]


def kernel(x, edge_index, edge_weight, W1, b1, W2, b2):
    src = edge_index[0].astype(_i32)
    dst = edge_index[1].astype(_i32)
    ew = edge_weight.astype(_f32)

    npad = E_PAD - E
    pad_idx = (N + (jnp.arange(npad, dtype=_i32) % (N_PAD - N))).astype(_i32)
    src_p = jnp.concatenate([src, pad_idx]).reshape(E_PAD // CHUNK, CHUNK)
    dst_p = jnp.concatenate([dst, pad_idx]).reshape(E_PAD // CHUNK, CHUNK)
    ew_p = jnp.concatenate([ew, jnp.zeros((npad,), _f32)]).reshape(
        E_PAD // CHUNK, CHUNK)

    x_p = jnp.pad(x, ((0, N_PAD - N), (0, 0)))
    w2_p = jnp.pad(W2, ((0, 0), (0, 48 - D_OUT)))
    b1_2d = b1.reshape(1, D_HID)
    b2_2d = jnp.pad(b2, (0, 48 - D_OUT)).reshape(1, 48)

    deg_sc = _sc_degree(dst_p, ew_p)

    dinv, xw1, xw1s = pl.pallas_call(
        _tc1_body,
        out_shape=[
            jax.ShapeDtypeStruct((N_PAD, 1), _f32),
            jax.ShapeDtypeStruct((N_PAD, D_HID), _f32),
            jax.ShapeDtypeStruct((N_PAD, D_HID), _f32),
        ],
    )(deg_sc, x_p, W1)

    agg1 = _sc_agg16(xw1s, src_p, dst_p, ew_p)

    xw2, xw2s = pl.pallas_call(
        _tc2_body,
        out_shape=[
            jax.ShapeDtypeStruct((N_PAD, 48), _f32),
            jax.ShapeDtypeStruct((N_PAD, 48), _f32),
        ],
    )(agg1, xw1, dinv, w2_p, b1_2d)

    agg2 = _sc_agg48(xw2s, src_p, dst_p, ew_p)

    out = pl.pallas_call(
        _tc3_body,
        out_shape=jax.ShapeDtypeStruct((N_PAD, 48), _f32),
    )(agg2, xw2, dinv, b2_2d)

    return out[:N, :D_OUT]

# --- scband reference (transcript-rebuilt; emitter-appended) ---
"""Pipeline reference for scband-gcn-72035191489123 (READ-ONLY COPY).

The authoritative reference and input builder live on the scoring server;
editing this copy changes nothing except your own understanding.
"""

import jax, jax.numpy as jnp
import numpy as np

NUM_NODES = 10000
NUM_EDGES = 320000
D_IN = 128
D_HID = 16
D_OUT = 40


def setup_inputs(seed: int = 0) -> dict:
    key = jax.random.key(seed)
    k1, k2, k3, k4, k5, k6, k7, k8 = jax.random.split(key, 8)
    x = jax.random.normal(k1, (NUM_NODES, D_IN), dtype=jnp.float32)
    edge_index = jax.random.randint(k2, (2, NUM_EDGES), 0, NUM_NODES, dtype=jnp.int64)
    edge_weight = jax.random.uniform(k3, (NUM_EDGES,), dtype=jnp.float32)
    # GCNConv params: glorot-style init for weights, zeros for bias
    W1 = jax.random.normal(k4, (D_IN, D_HID), dtype=jnp.float32) * (1.0 / np.sqrt(D_IN))
    b1 = jnp.zeros((D_HID,), dtype=jnp.float32)
    W2 = jax.random.normal(k5, (D_HID, D_OUT), dtype=jnp.float32) * (1.0 / np.sqrt(D_HID))
    b2 = jnp.zeros((D_OUT,), dtype=jnp.float32)
    return {"x": x, "edge_index": edge_index, "edge_weight": edge_weight,
            "W1": W1, "b1": b1, "W2": W2, "b2": b2}


def gcn_conv(x, edge_index, edge_weight, W, b, num_nodes):
    # Faithful translation of PyG GCNConv (normalize=True, add_self_loops=True):
    # 1) add self-loops with weight 1
    src = edge_index[0]
    dst = edge_index[1]
    loop = jnp.arange(num_nodes, dtype=src.dtype)
    src = jnp.concatenate([src, loop])
    dst = jnp.concatenate([dst, loop])
    ew = jnp.concatenate([edge_weight, jnp.ones((num_nodes,), dtype=edge_weight.dtype)])
    # 2) symmetric normalization: deg at target nodes
    deg = jnp.zeros((num_nodes,), dtype=ew.dtype).at[dst].add(ew)
    deg_inv_sqrt = jnp.where(deg > 0, deg ** -0.5, 0.0)
    norm = deg_inv_sqrt[src] * ew * deg_inv_sqrt[dst]
    # 3) linear transform then message passing (gather at src, scatter-add at dst)
    xw = x @ W
    msg = xw[src] * norm[:, None]
    out = jnp.zeros((num_nodes, xw.shape[1]), dtype=xw.dtype).at[dst].add(msg)
    return out + b


def reference(x, edge_index, edge_weight, W1, b1, W2, b2):
    num_nodes = x.shape[0]
    h = gcn_conv(x, edge_index, edge_weight, W1, b1, num_nodes)
    # nn.Dropout is identity in eval mode (deterministic reference)
    out = gcn_conv(h, edge_index, edge_weight, W2, b2, num_nodes)
    return out

if __name__ == "__main__":
    import jax
    _d = setup_inputs()
    print(jax.jit(kernel)(*tuple(_d.values())))

</pallas_src>

<mosaic_0001>
#map = affine_map<(d0, d1) -> (0, 0)>
module attributes {stable_mosaic.version = 14 : i64} {
  func.func @_sc_degree(%arg0: i32, %arg1: i32, %arg2: memref<2528x128xi32, #tpu.memory_space<hbm>>, %arg3: memref<2528x128xf32, #tpu.memory_space<hbm>>, %arg4: memref<20480x16xf32, #tpu.memory_space<hbm>>, %arg5: memref<10240x16xf32, #tpu.memory_space<vmem_shared>>, %arg6: memref<128xi32, #tpu.memory_space<vmem>>, %arg7: memref<128xf32, #tpu.memory_space<vmem>>, %arg8: memref<128x16xf32, #tpu.memory_space<vmem>>) attributes {dimension_semantics = [#tpu.dimension_semantics<core_parallel>, #tpu.dimension_semantics<subcore_parallel>], iteration_bounds = array<i64: 2, 16>, scalar_prefetch = 0 : i64, scratch_operands = 4 : i64, tpu.core_type = #tpu.core_type<sc_vector_subcore>, window_params = [{transform_indices = #map}, {transform_indices = #map}, {transform_indices = #map}]} {
    %scan3A = arith.constant 0 : i32
    %scan3A_0 = arith.constant 0 : i32
    %scan3A_1 = arith.constant 128 : i32
    %scan3A_2 = arith.addi %scan3A_0, %scan3A_1 : i32
    %scan3A_3 = arith.constant 1 : i32
    scf.for %scan3A_40 = %scan3A_0 to %scan3A_2 step %scan3A_3  : i32 {
      %broadcast_in_dim3A = arith.constant 0.000000e+00 : f32
      %broadcast_in_dim3A_41 = vector.broadcast %broadcast_in_dim3A : f32 to vector<16xf32>
      %swap3A = arith.index_cast %scan3A_40 : i32 to index
      %swap3A_42 = arith.constant 0 : index
      %swap3A_43 = tpu.vector_load %arg8[%swap3A, %swap3A_42] {strides = array<i32>} : memref<128x16xf32, #tpu.memory_space<vmem>>, vector<16xf32>,
      tpu.vector_store %arg8[%swap3A, %swap3A_42], %broadcast_in_dim3A_41 {strides = array<i32>} : memref<128x16xf32, #tpu.memory_space<vmem>>, vector<16xf32>,
    }
    %scan3A_4 = arith.constant 128 : i32
    %mul3A = arith.constant 640 : i32
    %mul3A_5 = arith.muli %arg1, %mul3A : i32
    %add3A = arith.constant 0 : i32
    %add3A_6 = arith.addi %mul3A_5, %add3A : i32
    "tpu.region"() ({
      %run_scoped3A = tpu.sem_alloc : memref<!tpu.dma_semaphore, #tpu.memory_space<semaphore_mem>>
      %dma_start3A = arith.constant 0 : i32
      %dma_start3A_40 = tpu.memref_slice %arg5[%add3A_6, %dma_start3A] : memref<10240x16xf32, #tpu.memory_space<vmem_shared>> -> memref<128x16xf32, #tpu.memory_space<vmem_shared>>
      %dma_start3A_41 = arith.constant 0 : i32
      %dma_start3A_42 = tpu.memref_slice %arg5[%add3A_6, %dma_start3A_41] : memref<10240x16xf32, #tpu.memory_space<vmem_shared>> -> memref<128x16xf32, #tpu.memory_space<vmem_shared>>
      tpu.enqueue_dma source(%arg8 : memref<128x16xf32, #tpu.memory_space<vmem>>) target(%dma_start3A_42 : memref<128x16xf32, #tpu.memory_space<vmem_shared>>) target_semaphore(%run_scoped3A : memref<!tpu.dma_semaphore, #tpu.memory_space<semaphore_mem>>)
      %dma_wait3A = arith.constant 0 : i32
      %dma_wait3A_43 = tpu.memref_slice %arg5[%add3A_6, %dma_wait3A] : memref<10240x16xf32, #tpu.memory_space<vmem_shared>> -> memref<128x16xf32, #tpu.memory_space<vmem_shared>>
      %dma_wait3A_44 = arith.constant 0 : i32
      %dma_wait3A_45 = tpu.memref_slice %arg5[%add3A_6, %dma_wait3A_44] : memref<10240x16xf32, #tpu.memory_space<vmem_shared>> -> memref<128x16xf32, #tpu.memory_space<vmem_shared>>
      tpu.wait_dma2 semaphore(%run_scoped3A : memref<!tpu.dma_semaphore, #tpu.memory_space<semaphore_mem>>) src(%arg8 : memref<128x16xf32, #tpu.memory_space<vmem>>) dst(%dma_wait3A_45 : memref<128x16xf32, #tpu.memory_space<vmem_shared>>)
      tpu.yield
    }) : () -> ()
    %mul3A_7 = arith.constant 640 : i32
    %mul3A_8 = arith.muli %arg1, %mul3A_7 : i32
    %add3A_9 = arith.constant 128 : i32
    %add3A_10 = arith.addi %mul3A_8, %add3A_9 : i32
    "tpu.region"() ({
      %run_scoped3A = tpu.sem_alloc : memref<!tpu.dma_semaphore, #tpu.memory_space<semaphore_mem>>
      %dma_start3A = arith.constant 0 : i32
      %dma_start3A_40 = tpu.memref_slice %arg5[%add3A_10, %dma_start3A] : memref<10240x16xf32, #tpu.memory_space<vmem_shared>> -> memref<128x16xf32, #tpu.memory_space<vmem_shared>>
      %dma_start3A_41 = arith.constant 0 : i32
      %dma_start3A_42 = tpu.memref_slice %arg5[%add3A_10, %dma_start3A_41] : memref<10240x16xf32, #tpu.memory_space<vmem_shared>> -> memref<128x16xf32, #tpu.memory_space<vmem_shared>>
      tpu.enqueue_dma source(%arg8 : memref<128x16xf32, #tpu.memory_space<vmem>>) target(%dma_start3A_42 : memref<128x16xf32, #tpu.memory_space<vmem_shared>>) target_semaphore(%run_scoped3A : memref<!tpu.dma_semaphore, #tpu.memory_space<semaphore_mem>>)
      %dma_wait3A = arith.constant 0 : i32
      %dma_wait3A_43 = tpu.memref_slice %arg5[%add3A_10, %dma_wait3A] : memref<10240x16xf32, #tpu.memory_space<vmem_shared>> -> memref<128x16xf32, #tpu.memory_space<vmem_shared>>
      %dma_wait3A_44 = arith.constant 0 : i32
      %dma_wait3A_45 = tpu.memref_slice %arg5[%add3A_10, %dma_wait3A_44] : memref<10240x16xf32, #tpu.memory_space<vmem_shared>> -> memref<128x16xf32, #tpu.memory_space<vmem_shared>>
      tpu.wait_dma2 semaphore(%run_scoped3A : memref<!tpu.dma_semaphore, #tpu.memory_space<semaphore_mem>>) src(%arg8 : memref<128x16xf32, #tpu.memory_space<vmem>>) dst(%dma_wait3A_45 : memref<128x16xf32, #tpu.memory_space<vmem_shared>>)
      tpu.yield
    }) : () -> ()
    %mul3A_11 = arith.constant 640 : i32
    %mul3A_12 = arith.muli %arg1, %mul3A_11 : i32
    %add3A_13 = arith.constant 256 : i32
    %add3A_14 = arith.addi %mul3A_12, %add3A_13 : i32
    "tpu.region"() ({
      %run_scoped3A = tpu.sem_alloc : memref<!tpu.dma_semaphore, #tpu.memory_space<semaphore_mem>>
      %dma_start3A = arith.constant 0 : i32
      %dma_start3A_40 = tpu.memref_slice %arg5[%add3A_14, %dma_start3A] : memref<10240x16xf32, #tpu.memory_space<vmem_shared>> -> memref<128x16xf32, #tpu.memory_space<vmem_shared>>
      %dma_start3A_41 = arith.constant 0 : i32
      %dma_start3A_42 = tpu.memref_slice %arg5[%add3A_14, %dma_start3A_41] : memref<10240x16xf32, #tpu.memory_space<vmem_shared>> -> memref<128x16xf32, #tpu.memory_space<vmem_shared>>
      tpu.enqueue_dma source(%arg8 : memref<128x16xf32, #tpu.memory_space<vmem>>) target(%dma_start3A_42 : memref<128x16xf32, #tpu.memory_space<vmem_shared>>) target_semaphore(%run_scoped3A : memref<!tpu.dma_semaphore, #tpu.memory_space<semaphore_mem>>)
      %dma_wait3A = arith.constant 0 : i32
      %dma_wait3A_43 = tpu.memref_slice %arg5[%add3A_14, %dma_wait3A] : memref<10240x16xf32, #tpu.memory_space<vmem_shared>> -> memref<128x16xf32, #tpu.memory_space<vmem_shared>>
      %dma_wait3A_44 = arith.constant 0 : i32
      %dma_wait3A_45 = tpu.memref_slice %arg5[%add3A_14, %dma_wait3A_44] : memref<10240x16xf32, #tpu.memory_space<vmem_shared>> -> memref<128x16xf32, #tpu.memory_space<vmem_shared>>
      tpu.wait_dma2 semaphore(%run_scoped3A : memref<!tpu.dma_semaphore, #tpu.memory_space<semaphore_mem>>) src(%arg8 : memref<128x16xf32, #tpu.memory_space<vmem>>) dst(%dma_wait3A_45 : memref<128x16xf32, #tpu.memory_space<vmem_shared>>)
      tpu.yield
    }) : () -> ()
    %mul3A_15 = arith.constant 640 : i32
    %mul3A_16 = arith.muli %arg1, %mul3A_15 : i32
    %add3A_17 = arith.constant 384 : i32
    %add3A_18 = arith.addi %mul3A_16, %add3A_17 : i32
    "tpu.region"() ({
      %run_scoped3A = tpu.sem_alloc : memref<!tpu.dma_semaphore, #tpu.memory_space<semaphore_mem>>
      %dma_start3A = arith.constant 0 : i32
      %dma_start3A_40 = tpu.memref_slice %arg5[%add3A_18, %dma_start3A] : memref<10240x16xf32, #tpu.memory_space<vmem_shared>> -> memref<128x16xf32, #tpu.memory_space<vmem_shared>>
      %dma_start3A_41 = arith.constant 0 : i32
      %dma_start3A_42 = tpu.memref_slice %arg5[%add3A_18, %dma_start3A_41] : memref<10240x16xf32, #tpu.memory_space<vmem_shared>> -> memref<128x16xf32, #tpu.memory_space<vmem_shared>>
      tpu.enqueue_dma source(%arg8 : memref<128x16xf32, #tpu.memory_space<vmem>>) target(%dma_start3A_42 : memref<128x16xf32, #tpu.memory_space<vmem_shared>>) target_semaphore(%run_scoped3A : memref<!tpu.dma_semaphore, #tpu.memory_space<semaphore_mem>>)
      %dma_wait3A = arith.constant 0 : i32
      %dma_wait3A_43 = tpu.memref_slice %arg5[%add3A_18, %dma_wait3A] : memref<10240x16xf32, #tpu.memory_space<vmem_shared>> -> memref<128x16xf32, #tpu.memory_space<vmem_shared>>
      %dma_wait3A_44 = arith.constant 0 : i32
      %dma_wait3A_45 = tpu.memref_slice %arg5[%add3A_18, %dma_wait3A_44] : memref<10240x16xf32, #tpu.memory_space<vmem_shared>> -> memref<128x16xf32, #tpu.memory_space<vmem_shared>>
      tpu.wait_dma2 semaphore(%run_scoped3A : memref<!tpu.dma_semaphore, #tpu.memory_space<semaphore_mem>>) src(%arg8 : memref<128x16xf32, #tpu.memory_space<vmem>>) dst(%dma_wait3A_45 : memref<128x16xf32, #tpu.memory_space<vmem_shared>>)
      tpu.yield
    }) : () -> ()
    %mul3A_19 = arith.constant 640 : i32
    %mul3A_20 = arith.muli %arg1, %mul3A_19 : i32
    %add3A_21 = arith.constant 512 : i32
    %add3A_22 = arith.addi %mul3A_20, %add3A_21 : i32
    "tpu.region"() ({
      %run_scoped3A = tpu.sem_alloc : memref<!tpu.dma_semaphore, #tpu.memory_space<semaphore_mem>>
      %dma_start3A = arith.constant 0 : i32
      %dma_start3A_40 = tpu.memref_slice %arg5[%add3A_22, %dma_start3A] : memref<10240x16xf32, #tpu.memory_space<vmem_shared>> -> memref<128x16xf32, #tpu.memory_space<vmem_shared>>
      %dma_start3A_41 = arith.constant 0 : i32
      %dma_start3A_42 = tpu.memref_slice %arg5[%add3A_22, %dma_start3A_41] : memref<10240x16xf32, #tpu.memory_space<vmem_shared>> -> memref<128x16xf32, #tpu.memory_space<vmem_shared>>
      tpu.enqueue_dma source(%arg8 : memref<128x16xf32, #tpu.memory_space<vmem>>) target(%dma_start3A_42 : memref<128x16xf32, #tpu.memory_space<vmem_shared>>) target_semaphore(%run_scoped3A : memref<!tpu.dma_semaphore, #tpu.memory_space<semaphore_mem>>)
      %dma_wait3A = arith.constant 0 : i32
      %dma_wait3A_43 = tpu.memref_slice %arg5[%add3A_22, %dma_wait3A] : memref<10240x16xf32, #tpu.memory_space<vmem_shared>> -> memref<128x16xf32, #tpu.memory_space<vmem_shared>>
      %dma_wait3A_44 = arith.constant 0 : i32
      %dma_wait3A_45 = tpu.memref_slice %arg5[%add3A_22, %dma_wait3A_44] : memref<10240x16xf32, #tpu.memory_space<vmem_shared>> -> memref<128x16xf32, #tpu.memory_space<vmem_shared>>
      tpu.wait_dma2 semaphore(%run_scoped3A : memref<!tpu.dma_semaphore, #tpu.memory_space<semaphore_mem>>) src(%arg8 : memref<128x16xf32, #tpu.memory_space<vmem>>) dst(%dma_wait3A_45 : memref<128x16xf32, #tpu.memory_space<vmem_shared>>)
      tpu.yield
    }) : () -> ()
    %barrier3A = arith.constant 0 : index
    tpu.barrier barrier_id(%barrier3A)
    %mul3A_23 = arith.constant 2 : i32
    %mul3A_24 = arith.muli %arg1, %mul3A_23 : i32
    %add3A_25 = arith.addi %mul3A_24, %arg0 : i32
    %scan3A_26 = arith.constant 0 : i32
    %scan3A_27 = arith.constant 0 : i32
    %scan3A_28 = arith.constant 79 : i32
    %scan3A_29 = arith.addi %scan3A_27, %scan3A_28 : i32
    %scan3A_30 = arith.constant 1 : i32
    scf.for %scan3A_40 = %scan3A_27 to %scan3A_29 step %scan3A_30  : i32 {
      %mul3A_41 = arith.constant 79 : i32
      %mul3A_42 = arith.muli %add3A_25, %mul3A_41 : i32
      %add3A_43 = arith.addi %mul3A_42, %scan3A_40 : i32
      "tpu.region"() ({
        %run_scoped3A = tpu.sem_alloc : memref<!tpu.dma_semaphore, #tpu.memory_space<semaphore_mem>>
        %dma_start3A = arith.constant 0 : i32
        %dma_start3A_50 = tpu.memref_slice %arg2[%add3A_43, %dma_start3A] : memref<2528x128xi32, #tpu.memory_space<hbm>> -> memref<1x128xi32, #tpu.memory_space<hbm>>
        %dma_start3A_51 = tpu.memref_squeeze %dma_start3A_50 : memref<1x128xi32, #tpu.memory_space<hbm>> -> memref<128xi32, #tpu.memory_space<hbm>>
        %dma_start3A_52 = arith.constant 0 : i32
        %dma_start3A_53 = tpu.memref_slice %arg2[%add3A_43, %dma_start3A_52] : memref<2528x128xi32, #tpu.memory_space<hbm>> -> memref<1x128xi32, #tpu.memory_space<hbm>>
        %dma_start3A_54 = tpu.memref_squeeze %dma_start3A_53 : memref<1x128xi32, #tpu.memory_space<hbm>> -> memref<128xi32, #tpu.memory_space<hbm>>
        tpu.enqueue_dma source(%dma_start3A_54 : memref<128xi32, #tpu.memory_space<hbm>>) target(%arg6 : memref<128xi32, #tpu.memory_space<vmem>>) target_semaphore(%run_scoped3A : memref<!tpu.dma_semaphore, #tpu.memory_space<semaphore_mem>>)
        %dma_wait3A = arith.constant 0 : i32
        %dma_wait3A_55 = tpu.memref_slice %arg2[%add3A_43, %dma_wait3A] : memref<2528x128xi32, #tpu.memory_space<hbm>> -> memref<1x128xi32, #tpu.memory_space<hbm>>
        %dma_wait3A_56 = tpu.memref_squeeze %dma_wait3A_55 : memref<1x128xi32, #tpu.memory_space<hbm>> -> memref<128xi32, #tpu.memory_space<hbm>>
        %dma_wait3A_57 = arith.constant 0 : i32
        %dma_wait3A_58 = tpu.memref_slice %arg2[%add3A_43, %dma_wait3A_57] : memref<2528x128xi32, #tpu.memory_space<hbm>> -> memref<1x128xi32, #tpu.memory_space<hbm>>
        %dma_wait3A_59 = tpu.memref_squeeze %dma_wait3A_58 : memref<1x128xi32, #tpu.memory_space<hbm>> -> memref<128xi32, #tpu.memory_space<hbm>>
        tpu.wait_dma2 semaphore(%run_scoped3A : memref<!tpu.dma_semaphore, #tpu.memory_space<semaphore_mem>>) src(%dma_wait3A_59 : memref<128xi32, #tpu.memory_space<hbm>>) dst(%arg6 : memref<128xi32, #tpu.memory_space<vmem>>)
        tpu.yield
      }) : () -> ()
      "tpu.region"() ({
        %run_scoped3A = tpu.sem_alloc : memref<!tpu.dma_semaphore, #tpu.memory_space<semaphore_mem>>
        %dma_start3A = arith.constant 0 : i32
        %dma_start3A_50 = tpu.memref_slice %arg3[%add3A_43, %dma_start3A] : memref<2528x128xf32, #tpu.memory_space<hbm>> -> memref<1x128xf32, #tpu.memory_space<hbm>>
        %dma_start3A_51 = tpu.memref_squeeze %dma_start3A_50 : memref<1x128xf32, #tpu.memory_space<hbm>> -> memref<128xf32, #tpu.memory_space<hbm>>
        %dma_start3A_52 = arith.constant 0 : i32
        %dma_start3A_53 = tpu.memref_slice %arg3[%add3A_43, %dma_start3A_52] : memref<2528x128xf32, #tpu.memory_space<hbm>> -> memref<1x128xf32, #tpu.memory_space<hbm>>
        %dma_start3A_54 = tpu.memref_squeeze %dma_start3A_53 : memref<1x128xf32, #tpu.memory_space<hbm>> -> memref<128xf32, #tpu.memory_space<hbm>>
        tpu.enqueue_dma source(%dma_start3A_54 : memref<128xf32, #tpu.memory_space<hbm>>) target(%arg7 : memref<128xf32, #tpu.memory_space<vmem>>) target_semaphore(%run_scoped3A : memref<!tpu.dma_semaphore, #tpu.memory_space<semaphore_mem>>)
        %dma_wait3A = arith.constant 0 : i32
        %dma_wait3A_55 = tpu.memref_slice %arg3[%add3A_43, %dma_wait3A] : memref<2528x128xf32, #tpu.memory_space<hbm>> -> memref<1x128xf32, #tpu.memory_space<hbm>>
        %dma_wait3A_56 = tpu.memref_squeeze %dma_wait3A_55 : memref<1x128xf32, #tpu.memory_space<hbm>> -> memref<128xf32, #tpu.memory_space<hbm>>
        %dma_wait3A_57 = arith.constant 0 : i32
        %dma_wait3A_58 = tpu.memref_slice %arg3[%add3A_43, %dma_wait3A_57] : memref<2528x128xf32, #tpu.memory_space<hbm>> -> memref<1x128xf32, #tpu.memory_space<hbm>>
        %dma_wait3A_59 = tpu.memref_squeeze %dma_wait3A_58 : memref<1x128xf32, #tpu.memory_space<hbm>> -> memref<128xf32, #tpu.memory_space<hbm>>
        tpu.wait_dma2 semaphore(%run_scoped3A : memref<!tpu.dma_semaphore, #tpu.memory_space<semaphore_mem>>) src(%dma_wait3A_59 : memref<128xf32, #tpu.memory_space<hbm>>) dst(%arg7 : memref<128xf32, #tpu.memory_space<vmem>>)
        tpu.yield
      }) : () -> ()
      %scan3A_44 = arith.constant 0 : i32
      %scan3A_45 = arith.constant 0 : i32
      %scan3A_46 = arith.constant 128 : i32
      %scan3A_47 = arith.addi %scan3A_45, %scan3A_46 : i32
      %scan3A_48 = arith.constant 4 : i32
      scf.for %scan3A_50 = %scan3A_45 to %scan3A_47 step %scan3A_48  : i32 {
        %broadcast_in_dim3A = vector.broadcast %scan3A_50 : i32 to vector<16xi32>
        %gather3A = tpu.vector_load_idx %arg7[%broadcast_in_dim3A] : memref<128xf32, #tpu.memory_space<vmem>>[vector<16xi32>], vector<16xf32>,
        %swap3A = arith.index_cast %scan3A_50 : i32 to index
        %swap3A_51 = arith.constant 0 : index
        %swap3A_52 = tpu.vector_load %arg8[%swap3A, %swap3A_51] {strides = array<i32>} : memref<128x16xf32, #tpu.memory_space<vmem>>, vector<16xf32>,
        tpu.vector_store %arg8[%swap3A, %swap3A_51], %gather3A {strides = array<i32>} : memref<128x16xf32, #tpu.memory_space<vmem>>, vector<16xf32>,
        %scan3A_53 = arith.constant 1 : i32
        %scan3A_54 = arith.addi %scan3A_50, %scan3A_53 : i32
        %broadcast_in_dim3A_55 = vector.broadcast %scan3A_54 : i32 to vector<16xi32>
        %gather3A_56 = tpu.vector_load_idx %arg7[%broadcast_in_dim3A_55] : memref<128xf32, #tpu.memory_space<vmem>>[vector<16xi32>], vector<16xf32>,
        %swap3A_57 = arith.index_cast %scan3A_54 : i32 to index
        %swap3A_58 = arith.constant 0 : index
        %swap3A_59 = tpu.vector_load %arg8[%swap3A_57, %swap3A_58] {strides = array<i32>} : memref<128x16xf32, #tpu.memory_space<vmem>>, vector<16xf32>,
        tpu.vector_store %arg8[%swap3A_57, %swap3A_58], %gather3A_56 {strides = array<i32>} : memref<128x16xf32, #tpu.memory_space<vmem>>, vector<16xf32>,
        %scan3A_60 = arith.constant 2 : i32
        %scan3A_61 = arith.addi %scan3A_50, %scan3A_60 : i32
        %broadcast_in_dim3A_62 = vector.broadcast %scan3A_61 : i32 to vector<16xi32>
        %gather3A_63 = tpu.vector_load_idx %arg7[%broadcast_in_dim3A_62] : memref<128xf32, #tpu.memory_space<vmem>>[vector<16xi32>], vector<16xf32>,
        %swap3A_64 = arith.index_cast %scan3A_61 : i32 to index
        %swap3A_65 = arith.constant 0 : index
        %swap3A_66 = tpu.vector_load %arg8[%swap3A_64, %swap3A_65] {strides = array<i32>} : memref<128x16xf32, #tpu.memory_space<vmem>>, vector<16xf32>,
        tpu.vector_store %arg8[%swap3A_64, %swap3A_65], %gather3A_63 {strides = array<i32>} : memref<128x16xf32, #tpu.memory_space<vmem>>, vector<16xf32>,
        %scan3A_67 = arith.constant 3 : i32
        %scan3A_68 = arith.addi %scan3A_50, %scan3A_67 : i32
        %broadcast_in_dim3A_69 = vector.broadcast %scan3A_68 : i32 to vector<16xi32>
        %gather3A_70 = tpu.vector_load_idx %arg7[%broadcast_in_dim3A_69] : memref<128xf32, #tpu.memory_space<vmem>>[vector<16xi32>], vector<16xf32>,
        %swap3A_71 = arith.index_cast %scan3A_68 : i32 to index
        %swap3A_72 = arith.constant 0 : index
        %swap3A_73 = tpu.vector_load %arg8[%swap3A_71, %swap3A_72] {strides = array<i32>} : memref<128x16xf32, #tpu.memory_space<vmem>>, vector<16xf32>,
        tpu.vector_store %arg8[%swap3A_71, %swap3A_72], %gather3A_70 {strides = array<i32>} : memref<128x16xf32, #tpu.memory_space<vmem>>, vector<16xf32>,
      }
      %scan3A_49 = arith.constant 128 : i32
      "tpu.region"() ({
        %run_scoped3A = tpu.sem_alloc : memref<!tpu.dma_semaphore, #tpu.memory_space<semaphore_mem>>
        %dma_start3A = arith.constant 0 : i32
        %dma_start3A_50 = arith.constant 0 : i32
        %dma_start3A_51 = tpu.memref_slice %arg5[%dma_start3A, %dma_start3A_50] : memref<10240x16xf32, #tpu.memory_space<vmem_shared>> -> memref<10240x16xf32, #tpu.memory_space<vmem_shared>>
        tpu.enqueue_indirect_dma source(%arg8 : memref<128x16xf32, #tpu.memory_space<vmem>>) target(%dma_start3A_51 : memref<10240x16xf32, #tpu.memory_space<vmem_shared>>) offsets(%arg6 : memref<128xi32, #tpu.memory_space<vmem>>) semaphore(%run_scoped3A : memref<!tpu.dma_semaphore, #tpu.memory_space<semaphore_mem>>) {add = true}
        %dma_wait3A = arith.constant 0 : i32
        %dma_wait3A_52 = arith.constant 0 : i32
        %dma_wait3A_53 = tpu.memref_slice %arg5[%dma_wait3A, %dma_wait3A_52] : memref<10240x16xf32, #tpu.memory_space<vmem_shared>> -> memref<10240x16xf32, #tpu.memory_space<vmem_shared>>
        tpu.wait_indirect_dma semaphore(%run_scoped3A : memref<!tpu.dma_semaphore, #tpu.memory_space<semaphore_mem>>) src(%arg8 : memref<128x16xf32, #tpu.memory_space<vmem>>) dst(%dma_wait3A_53 : memref<10240x16xf32, #tpu.memory_space<vmem_shared>>)
        tpu.yield
      }) : () -> ()
    }
    %scan3A_31 = arith.constant 79 : i32
    %barrier3A_32 = arith.constant 0 : index
    tpu.barrier barrier_id(%barrier3A_32)
    %mul3A_33 = arith.constant 640 : i32
    %mul3A_34 = arith.muli %arg1, %mul3A_33 : i32
    %mul3A_35 = arith.constant 10240 : i32
    %mul3A_36 = arith.muli %arg0, %mul3A_35 : i32
    %mul3A_37 = arith.constant 640 : i32
    %mul3A_38 = arith.muli %arg1, %mul3A_37 : i32
    %add3A_39 = arith.addi %mul3A_36, %mul3A_38 : i32
    "tpu.region"() ({
      %run_scoped3A = tpu.sem_alloc : memref<!tpu.dma_semaphore, #tpu.memory_space<semaphore_mem>>
      %dma_start3A = arith.constant 0 : i32
      %dma_start3A_40 = tpu.memref_slice %arg4[%add3A_39, %dma_start3A] : memref<20480x16xf32, #tpu.memory_space<hbm>> -> memref<640x16xf32, #tpu.memory_space<hbm>>
      %dma_start3A_41 = arith.constant 0 : i32
      %dma_start3A_42 = tpu.memref_slice %arg5[%mul3A_34, %dma_start3A_41] : memref<10240x16xf32, #tpu.memory_space<vmem_shared>> -> memref<640x16xf32, #tpu.memory_space<vmem_shared>>
      tpu.enqueue_dma source(%dma_start3A_42 : memref<640x16xf32, #tpu.memory_space<vmem_shared>>) target(%dma_start3A_40 : memref<640x16xf32, #tpu.memory_space<hbm>>) target_semaphore(%run_scoped3A : memref<!tpu.dma_semaphore, #tpu.memory_space<semaphore_mem>>)
      %dma_wait3A = arith.constant 0 : i32
      %dma_wait3A_43 = tpu.memref_slice %arg4[%add3A_39, %dma_wait3A] : memref<20480x16xf32, #tpu.memory_space<hbm>> -> memref<640x16xf32, #tpu.memory_space<hbm>>
      %dma_wait3A_44 = arith.constant 0 : i32
      %dma_wait3A_45 = tpu.memref_slice %arg5[%mul3A_34, %dma_wait3A_44] : memref<10240x16xf32, #tpu.memory_space<vmem_shared>> -> memref<640x16xf32, #tpu.memory_space<vmem_shared>>
      tpu.wait_dma2 semaphore(%run_scoped3A : memref<!tpu.dma_semaphore, #tpu.memory_space<semaphore_mem>>) src(%dma_wait3A_45 : memref<640x16xf32, #tpu.memory_space<vmem_shared>>) dst(%dma_wait3A_43 : memref<640x16xf32, #tpu.memory_space<hbm>>)
      tpu.yield
    }) : () -> ()
    return
  }
}

#map = affine_map<(d0, d1) -> (0, 0)>
module attributes {stable_mosaic.version = 14 : i64} {
  func.func @sc_agg(%arg0: i32, %arg1: i32, %arg2: memref<10240x48xf32, #tpu.memory_space<hbm>>, %arg3: memref<2528x128xi32, #tpu.memory_space<hbm>>, %arg4: memref<2528x128xi32, #tpu.memory_space<hbm>>, %arg5: memref<2528x128xf32, #tpu.memory_space<hbm>>, %arg6: memref<20480x48xf32, #tpu.memory_space<hbm>>, %arg7: memref<10240x48xf32, #tpu.memory_space<vmem_shared>>, %arg8: memref<10240x48xf32, #tpu.memory_space<vmem_shared>>, %arg9: memref<128xi32, #tpu.memory_space<vmem>>, %arg10: memref<128xi32, #tpu.memory_space<vmem>>, %arg11: memref<128xf32, #tpu.memory_space<vmem>>, %arg12: memref<128x48xf32, #tpu.memory_space<vmem>>, %arg13: memref<!tpu.dma_semaphore, #tpu.memory_space<semaphore_mem>>) attributes {dimension_semantics = [#tpu.dimension_semantics<core_parallel>, #tpu.dimension_semantics<subcore_parallel>], iteration_bounds = array<i64: 2, 16>, scalar_prefetch = 0 : i64, scratch_operands = 7 : i64, tpu.core_type = #tpu.core_type<sc_vector_subcore>, window_params = [{transform_indices = #map}, {transform_indices = #map}, {transform_indices = #map}, {transform_indices = #map}, {transform_indices = #map}]} {
    %mul3A = arith.constant 640 : i32
    %mul3A_0 = arith.muli %arg1, %mul3A : i32
    %mul3A_1 = arith.constant 640 : i32
    %mul3A_2 = arith.muli %arg1, %mul3A_1 : i32
    "tpu.region"() ({
      %run_scoped3A = tpu.sem_alloc : memref<!tpu.dma_semaphore, #tpu.memory_space<semaphore_mem>>
      %dma_start3A = arith.constant 0 : i32
      %dma_start3A_44 = tpu.memref_slice %arg8[%mul3A_2, %dma_start3A] : memref<10240x48xf32, #tpu.memory_space<vmem_shared>> -> memref<640x48xf32, #tpu.memory_space<vmem_shared>>
      %dma_start3A_45 = arith.constant 0 : i32
      %dma_start3A_46 = tpu.memref_slice %arg2[%mul3A_0, %dma_start3A_45] : memref<10240x48xf32, #tpu.memory_space<hbm>> -> memref<640x48xf32, #tpu.memory_space<hbm>>
      tpu.enqueue_dma source(%dma_start3A_46 : memref<640x48xf32, #tpu.memory_space<hbm>>) target(%dma_start3A_44 : memref<640x48xf32, #tpu.memory_space<vmem_shared>>) target_semaphore(%run_scoped3A : memref<!tpu.dma_semaphore, #tpu.memory_space<semaphore_mem>>)
      %dma_wait3A = arith.constant 0 : i32
      %dma_wait3A_47 = tpu.memref_slice %arg8[%mul3A_2, %dma_wait3A] : memref<10240x48xf32, #tpu.memory_space<vmem_shared>> -> memref<640x48xf32, #tpu.memory_space<vmem_shared>>
      %dma_wait3A_48 = arith.constant 0 : i32
      %dma_wait3A_49 = tpu.memref_slice %arg2[%mul3A_0, %dma_wait3A_48] : memref<10240x48xf32, #tpu.memory_space<hbm>> -> memref<640x48xf32, #tpu.memory_space<hbm>>
      tpu.wait_dma2 semaphore(%run_scoped3A : memref<!tpu.dma_semaphore, #tpu.memory_space<semaphore_mem>>) src(%dma_wait3A_49 : memref<640x48xf32, #tpu.memory_space<hbm>>) dst(%dma_wait3A_47 : memref<640x48xf32, #tpu.memory_space<vmem_shared>>)
      tpu.yield
    }) : () -> ()
    %scan3A = arith.constant 0 : i32
    %scan3A_3 = arith.constant 0 : i32
    %scan3A_4 = arith.constant 128 : i32
    %scan3A_5 = arith.addi %scan3A_3, %scan3A_4 : i32
    %scan3A_6 = arith.constant 1 : i32
    scf.for %scan3A_44 = %scan3A_3 to %scan3A_5 step %scan3A_6  : i32 {
      %broadcast_in_dim3A = arith.constant 0.000000e+00 : f32
      %broadcast_in_dim3A_45 = vector.broadcast %broadcast_in_dim3A : f32 to vector<16xf32>
      %swap3A = arith.index_cast %scan3A_44 : i32 to index
      %swap3A_46 = arith.constant 0 : index
      %swap3A_47 = tpu.vector_load %arg12[%swap3A, %swap3A_46] {strides = array<i32>} : memref<128x48xf32, #tpu.memory_space<vmem>>, vector<16xf32>,
      tpu.vector_store %arg12[%swap3A, %swap3A_46], %broadcast_in_dim3A_45 {strides = array<i32>} : memref<128x48xf32, #tpu.memory_space<vmem>>, vector<16xf32>,
      %broadcast_in_dim3A_48 = arith.constant 0.000000e+00 : f32
      %broadcast_in_dim3A_49 = vector.broadcast %broadcast_in_dim3A_48 : f32 to vector<16xf32>
      %swap3A_50 = arith.index_cast %scan3A_44 : i32 to index
      %swap3A_51 = arith.constant 16 : index
      %swap3A_52 = tpu.vector_load %arg12[%swap3A_50, %swap3A_51] {strides = array<i32>} : memref<128x48xf32, #tpu.memory_space<vmem>>, vector<16xf32>,
      tpu.vector_store %arg12[%swap3A_50, %swap3A_51], %broadcast_in_dim3A_49 {strides = array<i32>} : memref<128x48xf32, #tpu.memory_space<vmem>>, vector<16xf32>,
      %broadcast_in_dim3A_53 = arith.constant 0.000000e+00 : f32
      %broadcast_in_dim3A_54 = vector.broadcast %broadcast_in_dim3A_53 : f32 to vector<16xf32>
      %swap3A_55 = arith.index_cast %scan3A_44 : i32 to index
      %swap3A_56 = arith.constant 32 : index
      %swap3A_57 = tpu.vector_load %arg12[%swap3A_55, %swap3A_56] {strides = array<i32>} : memref<128x48xf32, #tpu.memory_space<vmem>>, vector<16xf32>,
      tpu.vector_store %arg12[%swap3A_55, %swap3A_56], %broadcast_in_dim3A_54 {strides = array<i32>} : memref<128x48xf32, #tpu.memory_space<vmem>>, vector<16xf32>,
    }
    %scan3A_7 = arith.constant 128 : i32
    %mul3A_8 = arith.constant 640 : i32
    %mul3A_9 = arith.muli %arg1, %mul3A_8 : i32
    %add3A = arith.constant 0 : i32
    %add3A_10 = arith.addi %mul3A_9, %add3A : i32
    "tpu.region"() ({
      %run_scoped3A = tpu.sem_alloc : memref<!tpu.dma_semaphore, #tpu.memory_space<semaphore_mem>>
      %dma_start3A = arith.constant 0 : i32
      %dma_start3A_44 = tpu.memref_slice %arg7[%add3A_10, %dma_start3A] : memref<10240x48xf32, #tpu.memory_space<vmem_shared>> -> memref<128x48xf32, #tpu.memory_space<vmem_shared>>
      %dma_start3A_45 = arith.constant 0 : i32
      %dma_start3A_46 = tpu.memref_slice %arg7[%add3A_10, %dma_start3A_45] : memref<10240x48xf32, #tpu.memory_space<vmem_shared>> -> memref<128x48xf32, #tpu.memory_space<vmem_shared>>
      tpu.enqueue_dma source(%arg12 : memref<128x48xf32, #tpu.memory_space<vmem>>) target(%dma_start3A_46 : memref<128x48xf32, #tpu.memory_space<vmem_shared>>) target_semaphore(%run_scoped3A : memref<!tpu.dma_semaphore, #tpu.memory_space<semaphore_mem>>)
      %dma_wait3A = arith.constant 0 : i32
      %dma_wait3A_47 = tpu.memref_slice %arg7[%add3A_10, %dma_wait3A] : memref<10240x48xf32, #tpu.memory_space<vmem_shared>> -> memref<128x48xf32, #tpu.memory_space<vmem_shared>>
      %dma_wait3A_48 = arith.constant 0 : i32
      %dma_wait3A_49 = tpu.memref_slice %arg7[%add3A_10, %dma_wait3A_48] : memref<10240x48xf32, #tpu.memory_space<vmem_shared>> -> memref<128x48xf32, #tpu.memory_space<vmem_shared>>
      tpu.wait_dma2 semaphore(%run_scoped3A : memref<!tpu.dma_semaphore, #tpu.memory_space<semaphore_mem>>) src(%arg12 : memref<128x48xf32, #tpu.memory_space<vmem>>) dst(%dma_wait3A_49 : memref<128x48xf32, #tpu.memory_space<vmem_shared>>)
      tpu.yield
    }) : () -> ()
    %mul3A_11 = arith.constant 640 : i32
    %mul3A_12 = arith.muli %arg1, %mul3A_11 : i32
    %add3A_13 = arith.constant 128 : i32
    %add3A_14 = arith.addi %mul3A_12, %add3A_13 : i32
    "tpu.region"() ({
      %run_scoped3A = tpu.sem_alloc : memref<!tpu.dma_semaphore, #tpu.memory_space<semaphore_mem>>
      %dma_start3A = arith.constant 0 : i32
      %dma_start3A_44 = tpu.memref_slice %arg7[%add3A_14, %dma_start3A] : memref<10240x48xf32, #tpu.memory_space<vmem_shared>> -> memref<128x48xf32, #tpu.memory_space<vmem_shared>>
      %dma_start3A_45 = arith.constant 0 : i32
      %dma_start3A_46 = tpu.memref_slice %arg7[%add3A_14, %dma_start3A_45] : memref<10240x48xf32, #tpu.memory_space<vmem_shared>> -> memref<128x48xf32, #tpu.memory_space<vmem_shared>>
      tpu.enqueue_dma source(%arg12 : memref<128x48xf32, #tpu.memory_space<vmem>>) target(%dma_start3A_46 : memref<128x48xf32, #tpu.memory_space<vmem_shared>>) target_semaphore(%run_scoped3A : memref<!tpu.dma_semaphore, #tpu.memory_space<semaphore_mem>>)
      %dma_wait3A = arith.constant 0 : i32
      %dma_wait3A_47 = tpu.memref_slice %arg7[%add3A_14, %dma_wait3A] : memref<10240x48xf32, #tpu.memory_space<vmem_shared>> -> memref<128x48xf32, #tpu.memory_space<vmem_shared>>
      %dma_wait3A_48 = arith.constant 0 : i32
      %dma_wait3A_49 = tpu.memref_slice %arg7[%add3A_14, %dma_wait3A_48] : memref<10240x48xf32, #tpu.memory_space<vmem_shared>> -> memref<128x48xf32, #tpu.memory_space<vmem_shared>>
      tpu.wait_dma2 semaphore(%run_scoped3A : memref<!tpu.dma_semaphore, #tpu.memory_space<semaphore_mem>>) src(%arg12 : memref<128x48xf32, #tpu.memory_space<vmem>>) dst(%dma_wait3A_49 : memref<128x48xf32, #tpu.memory_space<vmem_shared>>)
      tpu.yield
    }) : () -> ()
    %mul3A_15 = arith.constant 640 : i32
    %mul3A_16 = arith.muli %arg1, %mul3A_15 : i32
    %add3A_17 = arith.constant 256 : i32
    %add3A_18 = arith.addi %mul3A_16, %add3A_17 : i32
    "tpu.region"() ({
      %run_scoped3A = tpu.sem_alloc : memref<!tpu.dma_semaphore, #tpu.memory_space<semaphore_mem>>
      %dma_start3A = arith.constant 0 : i32
      %dma_start3A_44 = tpu.memref_slice %arg7[%add3A_18, %dma_start3A] : memref<10240x48xf32, #tpu.memory_space<vmem_shared>> -> memref<128x48xf32, #tpu.memory_space<vmem_shared>>
      %dma_start3A_45 = arith.constant 0 : i32
      %dma_start3A_46 = tpu.memref_slice %arg7[%add3A_18, %dma_start3A_45] : memref<10240x48xf32, #tpu.memory_space<vmem_shared>> -> memref<128x48xf32, #tpu.memory_space<vmem_shared>>
      tpu.enqueue_dma source(%arg12 : memref<128x48xf32, #tpu.memory_space<vmem>>) target(%dma_start3A_46 : memref<128x48xf32, #tpu.memory_space<vmem_shared>>) target_semaphore(%run_scoped3A : memref<!tpu.dma_semaphore, #tpu.memory_space<semaphore_mem>>)
      %dma_wait3A = arith.constant 0 : i32
      %dma_wait3A_47 = tpu.memref_slice %arg7[%add3A_18, %dma_wait3A] : memref<10240x48xf32, #tpu.memory_space<vmem_shared>> -> memref<128x48xf32, #tpu.memory_space<vmem_shared>>
      %dma_wait3A_48 = arith.constant 0 : i32
      %dma_wait3A_49 = tpu.memref_slice %arg7[%add3A_18, %dma_wait3A_48] : memref<10240x48xf32, #tpu.memory_space<vmem_shared>> -> memref<128x48xf32, #tpu.memory_space<vmem_shared>>
      tpu.wait_dma2 semaphore(%run_scoped3A : memref<!tpu.dma_semaphore, #tpu.memory_space<semaphore_mem>>) src(%arg12 : memref<128x48xf32, #tpu.memory_space<vmem>>) dst(%dma_wait3A_49 : memref<128x48xf32, #tpu.memory_space<vmem_shared>>)
      tpu.yield
    }) : () -> ()
    %mul3A_19 = arith.constant 640 : i32
    %mul3A_20 = arith.muli %arg1, %mul3A_19 : i32
    %add3A_21 = arith.constant 384 : i32
    %add3A_22 = arith.addi %mul3A_20, %add3A_21 : i32
    "tpu.region"() ({
      %run_scoped3A = tpu.sem_alloc : memref<!tpu.dma_semaphore, #tpu.memory_space<semaphore_mem>>
      %dma_start3A = arith.constant 0 : i32
      %dma_start3A_44 = tpu.memref_slice %arg7[%add3A_22, %dma_start3A] : memref<10240x48xf32, #tpu.memory_space<vmem_shared>> -> memref<128x48xf32, #tpu.memory_space<vmem_shared>>
      %dma_start3A_45 = arith.constant 0 : i32
      %dma_start3A_46 = tpu.memref_slice %arg7[%add3A_22, %dma_start3A_45] : memref<10240x48xf32, #tpu.memory_space<vmem_shared>> -> memref<128x48xf32, #tpu.memory_space<vmem_shared>>
      tpu.enqueue_dma source(%arg12 : memref<128x48xf32, #tpu.memory_space<vmem>>) target(%dma_start3A_46 : memref<128x48xf32, #tpu.memory_space<vmem_shared>>) target_semaphore(%run_scoped3A : memref<!tpu.dma_semaphore, #tpu.memory_space<semaphore_mem>>)
      %dma_wait3A = arith.constant 0 : i32
      %dma_wait3A_47 = tpu.memref_slice %arg7[%add3A_22, %dma_wait3A] : memref<10240x48xf32, #tpu.memory_space<vmem_shared>> -> memref<128x48xf32, #tpu.memory_space<vmem_shared>>
      %dma_wait3A_48 = arith.constant 0 : i32
      %dma_wait3A_49 = tpu.memref_slice %arg7[%add3A_22, %dma_wait3A_48] : memref<10240x48xf32, #tpu.memory_space<vmem_shared>> -> memref<128x48xf32, #tpu.memory_space<vmem_shared>>
      tpu.wait_dma2 semaphore(%run_scoped3A : memref<!tpu.dma_semaphore, #tpu.memory_space<semaphore_mem>>) src(%arg12 : memref<128x48xf32, #tpu.memory_space<vmem>>) dst(%dma_wait3A_49 : memref<128x48xf32, #tpu.memory_space<vmem_shared>>)
      tpu.yield
    }) : () -> ()
    %mul3A_23 = arith.constant 640 : i32
    %mul3A_24 = arith.muli %arg1, %mul3A_23 : i32
    %add3A_25 = arith.constant 512 : i32
    %add3A_26 = arith.addi %mul3A_24, %add3A_25 : i32
    "tpu.region"() ({
      %run_scoped3A = tpu.sem_alloc : memref<!tpu.dma_semaphore, #tpu.memory_space<semaphore_mem>>
      %dma_start3A = arith.constant 0 : i32
      %dma_start3A_44 = tpu.memref_slice %arg7[%add3A_26, %dma_start3A] : memref<10240x48xf32, #tpu.memory_space<vmem_shared>> -> memref<128x48xf32, #tpu.memory_space<vmem_shared>>
      %dma_start3A_45 = arith.constant 0 : i32
      %dma_start3A_46 = tpu.memref_slice %arg7[%add3A_26, %dma_start3A_45] : memref<10240x48xf32, #tpu.memory_space<vmem_shared>> -> memref<128x48xf32, #tpu.memory_space<vmem_shared>>
      tpu.enqueue_dma source(%arg12 : memref<128x48xf32, #tpu.memory_space<vmem>>) target(%dma_start3A_46 : memref<128x48xf32, #tpu.memory_space<vmem_shared>>) target_semaphore(%run_scoped3A : memref<!tpu.dma_semaphore, #tpu.memory_space<semaphore_mem>>)
      %dma_wait3A = arith.constant 0 : i32
      %dma_wait3A_47 = tpu.memref_slice %arg7[%add3A_26, %dma_wait3A] : memref<10240x48xf32, #tpu.memory_space<vmem_shared>> -> memref<128x48xf32, #tpu.memory_space<vmem_shared>>
      %dma_wait3A_48 = arith.constant 0 : i32
      %dma_wait3A_49 = tpu.memref_slice %arg7[%add3A_26, %dma_wait3A_48] : memref<10240x48xf32, #tpu.memory_space<vmem_shared>> -> memref<128x48xf32, #tpu.memory_space<vmem_shared>>
      tpu.wait_dma2 semaphore(%run_scoped3A : memref<!tpu.dma_semaphore, #tpu.memory_space<semaphore_mem>>) src(%arg12 : memref<128x48xf32, #tpu.memory_space<vmem>>) dst(%dma_wait3A_49 : memref<128x48xf32, #tpu.memory_space<vmem_shared>>)
      tpu.yield
    }) : () -> ()
    %barrier3A = arith.constant 0 : index
    tpu.barrier barrier_id(%barrier3A)
    %mul3A_27 = arith.constant 2 : i32
    %mul3A_28 = arith.muli %arg1, %mul3A_27 : i32
    %add3A_29 = arith.addi %mul3A_28, %arg0 : i32
    %scan3A_30 = arith.constant 0 : i32
    %scan3A_31 = arith.constant 0 : i32
    %scan3A_32 = arith.constant 79 : i32
    %scan3A_33 = arith.addi %scan3A_31, %scan3A_32 : i32
    %scan3A_34 = arith.constant 1 : i32
    scf.for %scan3A_44 = %scan3A_31 to %scan3A_33 step %scan3A_34  : i32 {
      %mul3A_45 = arith.constant 79 : i32
      %mul3A_46 = arith.muli %add3A_29, %mul3A_45 : i32
      %add3A_47 = arith.addi %mul3A_46, %scan3A_44 : i32
      "tpu.region"() ({
        %run_scoped3A = tpu.sem_alloc : memref<!tpu.dma_semaphore, #tpu.memory_space<semaphore_mem>>
        %dma_start3A_58 = arith.constant 0 : i32
        %dma_start3A_59 = tpu.memref_slice %arg3[%add3A_47, %dma_start3A_58] : memref<2528x128xi32, #tpu.memory_space<hbm>> -> memref<1x128xi32, #tpu.memory_space<hbm>>
        %dma_start3A_60 = tpu.memref_squeeze %dma_start3A_59 : memref<1x128xi32, #tpu.memory_space<hbm>> -> memref<128xi32, #tpu.memory_space<hbm>>
        %dma_start3A_61 = arith.constant 0 : i32
        %dma_start3A_62 = tpu.memref_slice %arg3[%add3A_47, %dma_start3A_61] : memref<2528x128xi32, #tpu.memory_space<hbm>> -> memref<1x128xi32, #tpu.memory_space<hbm>>
        %dma_start3A_63 = tpu.memref_squeeze %dma_start3A_62 : memref<1x128xi32, #tpu.memory_space<hbm>> -> memref<128xi32, #tpu.memory_space<hbm>>
        tpu.enqueue_dma source(%dma_start3A_63 : memref<128xi32, #tpu.memory_space<hbm>>) target(%arg9 : memref<128xi32, #tpu.memory_space<vmem>>) target_semaphore(%run_scoped3A : memref<!tpu.dma_semaphore, #tpu.memory_space<semaphore_mem>>)
        %dma_wait3A_64 = arith.constant 0 : i32
        %dma_wait3A_65 = tpu.memref_slice %arg3[%add3A_47, %dma_wait3A_64] : memref<2528x128xi32, #tpu.memory_space<hbm>> -> memref<1x128xi32, #tpu.memory_space<hbm>>
        %dma_wait3A_66 = tpu.memref_squeeze %dma_wait3A_65 : memref<1x128xi32, #tpu.memory_space<hbm>> -> memref<128xi32, #tpu.memory_space<hbm>>
        %dma_wait3A_67 = arith.constant 0 : i32
        %dma_wait3A_68 = tpu.memref_slice %arg3[%add3A_47, %dma_wait3A_67] : memref<2528x128xi32, #tpu.memory_space<hbm>> -> memref<1x128xi32, #tpu.memory_space<hbm>>
        %dma_wait3A_69 = tpu.memref_squeeze %dma_wait3A_68 : memref<1x128xi32, #tpu.memory_space<hbm>> -> memref<128xi32, #tpu.memory_space<hbm>>
        tpu.wait_dma2 semaphore(%run_scoped3A : memref<!tpu.dma_semaphore, #tpu.memory_space<semaphore_mem>>) src(%dma_wait3A_69 : memref<128xi32, #tpu.memory_space<hbm>>) dst(%arg9 : memref<128xi32, #tpu.memory_space<vmem>>)
        tpu.yield
      }) : () -> ()
      "tpu.region"() ({
        %run_scoped3A = tpu.sem_alloc : memref<!tpu.dma_semaphore, #tpu.memory_space<semaphore_mem>>
        %dma_start3A_58 = arith.constant 0 : i32
        %dma_start3A_59 = tpu.memref_slice %arg4[%add3A_47, %dma_start3A_58] : memref<2528x128xi32, #tpu.memory_space<hbm>> -> memref<1x128xi32, #tpu.memory_space<hbm>>
        %dma_start3A_60 = tpu.memref_squeeze %dma_start3A_59 : memref<1x128xi32, #tpu.memory_space<hbm>> -> memref<128xi32, #tpu.memory_space<hbm>>
        %dma_start3A_61 = arith.constant 0 : i32
        %dma_start3A_62 = tpu.memref_slice %arg4[%add3A_47, %dma_start3A_61] : memref<2528x128xi32, #tpu.memory_space<hbm>> -> memref<1x128xi32, #tpu.memory_space<hbm>>
        %dma_start3A_63 = tpu.memref_squeeze %dma_start3A_62 : memref<1x128xi32, #tpu.memory_space<hbm>> -> memref<128xi32, #tpu.memory_space<hbm>>
        tpu.enqueue_dma source(%dma_start3A_63 : memref<128xi32, #tpu.memory_space<hbm>>) target(%arg10 : memref<128xi32, #tpu.memory_space<vmem>>) target_semaphore(%run_scoped3A : memref<!tpu.dma_semaphore, #tpu.memory_space<semaphore_mem>>)
        %dma_wait3A_64 = arith.constant 0 : i32
        %dma_wait3A_65 = tpu.memref_slice %arg4[%add3A_47, %dma_wait3A_64] : memref<2528x128xi32, #tpu.memory_space<hbm>> -> memref<1x128xi32, #tpu.memory_space<hbm>>
        %dma_wait3A_66 = tpu.memref_squeeze %dma_wait3A_65 : memref<1x128xi32, #tpu.memory_space<hbm>> -> memref<128xi32, #tpu.memory_space<hbm>>
        %dma_wait3A_67 = arith.constant 0 : i32
        %dma_wait3A_68 = tpu.memref_slice %arg4[%add3A_47, %dma_wait3A_67] : memref<2528x128xi32, #tpu.memory_space<hbm>> -> memref<1x128xi32, #tpu.memory_space<hbm>>
        %dma_wait3A_69 = tpu.memref_squeeze %dma_wait3A_68 : memref<1x128xi32, #tpu.memory_space<hbm>> -> memref<128xi32, #tpu.memory_space<hbm>>
        tpu.wait_dma2 semaphore(%run_scoped3A : memref<!tpu.dma_semaphore, #tpu.memory_space<semaphore_mem>>) src(%dma_wait3A_69 : memref<128xi32, #tpu.memory_space<hbm>>) dst(%arg10 : memref<128xi32, #tpu.memory_space<vmem>>)
        tpu.yield
      }) : () -> ()
      "tpu.region"() ({
        %run_scoped3A = tpu.sem_alloc : memref<!tpu.dma_semaphore, #tpu.memory_space<semaphore_mem>>
        %dma_start3A_58 = arith.constant 0 : i32
        %dma_start3A_59 = tpu.memref_slice %arg5[%add3A_47, %dma_start3A_58] : memref<2528x128xf32, #tpu.memory_space<hbm>> -> memref<1x128xf32, #tpu.memory_space<hbm>>
        %dma_start3A_60 = tpu.memref_squeeze %dma_start3A_59 : memref<1x128xf32, #tpu.memory_space<hbm>> -> memref<128xf32, #tpu.memory_space<hbm>>
        %dma_start3A_61 = arith.constant 0 : i32
        %dma_start3A_62 = tpu.memref_slice %arg5[%add3A_47, %dma_start3A_61] : memref<2528x128xf32, #tpu.memory_space<hbm>> -> memref<1x128xf32, #tpu.memory_space<hbm>>
        %dma_start3A_63 = tpu.memref_squeeze %dma_start3A_62 : memref<1x128xf32, #tpu.memory_space<hbm>> -> memref<128xf32, #tpu.memory_space<hbm>>
        tpu.enqueue_dma source(%dma_start3A_63 : memref<128xf32, #tpu.memory_space<hbm>>) target(%arg11 : memref<128xf32, #tpu.memory_space<vmem>>) target_semaphore(%run_scoped3A : memref<!tpu.dma_semaphore, #tpu.memory_space<semaphore_mem>>)
        %dma_wait3A_64 = arith.constant 0 : i32
        %dma_wait3A_65 = tpu.memref_slice %arg5[%add3A_47, %dma_wait3A_64] : memref<2528x128xf32, #tpu.memory_space<hbm>> -> memref<1x128xf32, #tpu.memory_space<hbm>>
        %dma_wait3A_66 = tpu.memref_squeeze %dma_wait3A_65 : memref<1x128xf32, #tpu.memory_space<hbm>> -> memref<128xf32, #tpu.memory_space<hbm>>
        %dma_wait3A_67 = arith.constant 0 : i32
        %dma_wait3A_68 = tpu.memref_slice %arg5[%add3A_47, %dma_wait3A_67] : memref<2528x128xf32, #tpu.memory_space<hbm>> -> memref<1x128xf32, #tpu.memory_space<hbm>>
        %dma_wait3A_69 = tpu.memref_squeeze %dma_wait3A_68 : memref<1x128xf32, #tpu.memory_space<hbm>> -> memref<128xf32, #tpu.memory_space<hbm>>
        tpu.wait_dma2 semaphore(%run_scoped3A : memref<!tpu.dma_semaphore, #tpu.memory_space<semaphore_mem>>) src(%dma_wait3A_69 : memref<128xf32, #tpu.memory_space<hbm>>) dst(%arg11 : memref<128xf32, #tpu.memory_space<vmem>>)
        tpu.yield
      }) : () -> ()
      %dma_start3A = arith.constant 0 : i32
      %dma_start3A_48 = arith.constant 0 : i32
      %dma_start3A_49 = tpu.memref_slice %arg8[%dma_start3A, %dma_start3A_48] : memref<10240x48xf32, #tpu.memory_space<vmem_shared>> -> memref<10240x48xf32, #tpu.memory_space<vmem_shared>>
      tpu.enqueue_indirect_dma source(%dma_start3A_49 : memref<10240x48xf32, #tpu.memory_space<vmem_shared>>) target(%arg12 : memref<128x48xf32, #tpu.memory_space<vmem>>) offsets(%arg9 : memref<128xi32, #tpu.memory_space<vmem>>) semaphore(%arg13 : memref<!tpu.dma_semaphore, #tpu.memory_space<semaphore_mem>>)
      %dma_wait3A = arith.constant 0 : i32
      %dma_wait3A_50 = arith.constant 0 : i32
      %dma_wait3A_51 = tpu.memref_slice %arg8[%dma_wait3A, %dma_wait3A_50] : memref<10240x48xf32, #tpu.memory_space<vmem_shared>> -> memref<10240x48xf32, #tpu.memory_space<vmem_shared>>
      tpu.wait_indirect_dma semaphore(%arg13 : memref<!tpu.dma_semaphore, #tpu.memory_space<semaphore_mem>>) src(%dma_wait3A_51 : memref<10240x48xf32, #tpu.memory_space<vmem_shared>>) dst(%arg12 : memref<128x48xf32, #tpu.memory_space<vmem>>)
      %scan3A_52 = arith.constant 0 : i32
      %scan3A_53 = arith.constant 0 : i32
      %scan3A_54 = arith.constant 128 : i32
      %scan3A_55 = arith.addi %scan3A_53, %scan3A_54 : i32
      %scan3A_56 = arith.constant 4 : i32
      scf.for %scan3A_58 = %scan3A_53 to %scan3A_55 step %scan3A_56  : i32 {
        %broadcast_in_dim3A = vector.broadcast %scan3A_58 : i32 to vector<16xi32>
        %gather3A = tpu.vector_load_idx %arg11[%broadcast_in_dim3A] : memref<128xf32, #tpu.memory_space<vmem>>[vector<16xi32>], vector<16xf32>,
        %get3A = arith.index_cast %scan3A_58 : i32 to index
        %get3A_59 = arith.constant 0 : index
        %get3A_60 = tpu.vector_load %arg12[%get3A, %get3A_59] {strides = array<i32>} : memref<128x48xf32, #tpu.memory_space<vmem>>, vector<16xf32>,
        %mul3A_61 = arith.mulf %get3A_60, %gather3A : vector<16xf32>
        %swap3A = arith.index_cast %scan3A_58 : i32 to index
        %swap3A_62 = arith.constant 0 : index
        %swap3A_63 = tpu.vector_load %arg12[%swap3A, %swap3A_62] {strides = array<i32>} : memref<128x48xf32, #tpu.memory_space<vmem>>, vector<16xf32>,
        tpu.vector_store %arg12[%swap3A, %swap3A_62], %mul3A_61 {strides = array<i32>} : memref<128x48xf32, #tpu.memory_space<vmem>>, vector<16xf32>,
        %get3A_64 = arith.index_cast %scan3A_58 : i32 to index
        %get3A_65 = arith.constant 16 : index
        %get3A_66 = tpu.vector_load %arg12[%get3A_64, %get3A_65] {strides = array<i32>} : memref<128x48xf32, #tpu.memory_space<vmem>>, vector<16xf32>,
        %mul3A_67 = arith.mulf %get3A_66, %gather3A : vector<16xf32>
        %swap3A_68 = arith.index_cast %scan3A_58 : i32 to index
        %swap3A_69 = arith.constant 16 : index
        %swap3A_70 = tpu.vector_load %arg12[%swap3A_68, %swap3A_69] {strides = array<i32>} : memref<128x48xf32, #tpu.memory_space<vmem>>, vector<16xf32>,
        tpu.vector_store %arg12[%swap3A_68, %swap3A_69], %mul3A_67 {strides = array<i32>} : memref<128x48xf32, #tpu.memory_space<vmem>>, vector<16xf32>,
        %get3A_71 = arith.index_cast %scan3A_58 : i32 to index
        %get3A_72 = arith.constant 32 : index
        %get3A_73 = tpu.vector_load %arg12[%get3A_71, %get3A_72] {strides = array<i32>} : memref<128x48xf32, #tpu.memory_space<vmem>>, vector<16xf32>,
        %mul3A_74 = arith.mulf %get3A_73, %gather3A : vector<16xf32>
        %swap3A_75 = arith.index_cast %scan3A_58 : i32 to index
        %swap3A_76 = arith.constant 32 : index
        %swap3A_77 = tpu.vector_load %arg12[%swap3A_75, %swap3A_76] {strides = array<i32>} : memref<128x48xf32, #tpu.memory_space<vmem>>, vector<16xf32>,
        tpu.vector_store %arg12[%swap3A_75, %swap3A_76], %mul3A_74 {strides = array<i32>} : memref<128x48xf32, #tpu.memory_space<vmem>>, vector<16xf32>,
        %scan3A_78 = arith.constant 1 : i32
        %scan3A_79 = arith.addi %scan3A_58, %scan3A_78 : i32
        %broadcast_in_dim3A_80 = vector.broadcast %scan3A_79 : i32 to vector<16xi32>
        %gather3A_81 = tpu.vector_load_idx %arg11[%broadcast_in_dim3A_80] : memref<128xf32, #tpu.memory_space<vmem>>[vector<16xi32>], vector<16xf32>,
        %get3A_82 = arith.index_cast %scan3A_79 : i32 to index
        %get3A_83 = arith.constant 0 : index
        %get3A_84 = tpu.vector_load %arg12[%get3A_82, %get3A_83] {strides = array<i32>} : memref<128x48xf32, #tpu.memory_space<vmem>>, vector<16xf32>,
        %mul3A_85 = arith.mulf %get3A_84, %gather3A_81 : vector<16xf32>
        %swap3A_86 = arith.index_cast %scan3A_79 : i32 to index
        %swap3A_87 = arith.constant 0 : index
        %swap3A_88 = tpu.vector_load %arg12[%swap3A_86, %swap3A_87] {strides = array<i32>} : memref<128x48xf32, #tpu.memory_space<vmem>>, vector<16xf32>,
        tpu.vector_store %arg12[%swap3A_86, %swap3A_87], %mul3A_85 {strides = array<i32>} : memref<128x48xf32, #tpu.memory_space<vmem>>, vector<16xf32>,
        %get3A_89 = arith.index_cast %scan3A_79 : i32 to index
        %get3A_90 = arith.constant 16 : index
        %get3A_91 = tpu.vector_load %arg12[%get3A_89, %get3A_90] {strides = array<i32>} : memref<128x48xf32, #tpu.memory_space<vmem>>, vector<16xf32>,
        %mul3A_92 = arith.mulf %get3A_91, %gather3A_81 : vector<16xf32>
        %swap3A_93 = arith.index_cast %scan3A_79 : i32 to index
        %swap3A_94 = arith.constant 16 : index
        %swap3A_95 = tpu.vector_load %arg12[%swap3A_93, %swap3A_94] {strides = array<i32>} : memref<128x48xf32, #tpu.memory_space<vmem>>, vector<16xf32>,
        tpu.vector_store %arg12[%swap3A_93, %swap3A_94], %mul3A_92 {strides = array<i32>} : memref<128x48xf32, #tpu.memory_space<vmem>>, vector<16xf32>,
        %get3A_96 = arith.index_cast %scan3A_79 : i32 to index
        %get3A_97 = arith.constant 32 : index
        %get3A_98 = tpu.vector_load %arg12[%get3A_96, %get3A_97] {strides = array<i32>} : memref<128x48xf32, #tpu.memory_space<vmem>>, vector<16xf32>,
        %mul3A_99 = arith.mulf %get3A_98, %gather3A_81 : vector<16xf32>
        %swap3A_100 = arith.index_cast %scan3A_79 : i32 to index
        %swap3A_101 = arith.constant 32 : index
        %swap3A_102 = tpu.vector_load %arg12[%swap3A_100, %swap3A_101] {strides = array<i32>} : memref<128x48xf32, #tpu.memory_space<vmem>>, vector<16xf32>,
        tpu.vector_store %arg12[%swap3A_100, %swap3A_101], %mul3A_99 {strides = array<i32>} : memref<128x48xf32, #tpu.memory_space<vmem>>, vector<16xf32>,
        %scan3A_103 = arith.constant 2 : i32
        %scan3A_104 = arith.addi %scan3A_58, %scan3A_103 : i32
        %broadcast_in_dim3A_105 = vector.broadcast %scan3A_104 : i32 to vector<16xi32>
        %gather3A_106 = tpu.vector_load_idx %arg11[%broadcast_in_dim3A_105] : memref<128xf32, #tpu.memory_space<vmem>>[vector<16xi32>], vector<16xf32>,
        %get3A_107 = arith.index_cast %scan3A_104 : i32 to index
        %get3A_108 = arith.constant 0 : index
        %get3A_109 = tpu.vector_load %arg12[%get3A_107, %get3A_108] {strides = array<i32>} : memref<128x48xf32, #tpu.memory_space<vmem>>, vector<16xf32>,
        %mul3A_110 = arith.mulf %get3A_109, %gather3A_106 : vector<16xf32>
        %swap3A_111 = arith.index_cast %scan3A_104 : i32 to index
        %swap3A_112 = arith.constant 0 : index
        %swap3A_113 = tpu.vector_load %arg12[%swap3A_111, %swap3A_112] {strides = array<i32>} : memref<128x48xf32, #tpu.memory_space<vmem>>, vector<16xf32>,
        tpu.vector_store %arg12[%swap3A_111, %swap3A_112], %mul3A_110 {strides = array<i32>} : memref<128x48xf32, #tpu.memory_space<vmem>>, vector<16xf32>,
        %get3A_114 = arith.index_cast %scan3A_104 : i32 to index
        %get3A_115 = arith.constant 16 : index
        %get3A_116 = tpu.vector_load %arg12[%get3A_114, %get3A_115] {strides = array<i32>} : memref<128x48xf32, #tpu.memory_space<vmem>>, vector<16xf32>,
        %mul3A_117 = arith.mulf %get3A_116, %gather3A_106 : vector<16xf32>
        %swap3A_118 = arith.index_cast %scan3A_104 : i32 to index
        %swap3A_119 = arith.constant 16 : index
        %swap3A_120 = tpu.vector_load %arg12[%swap3A_118, %swap3A_119] {strides = array<i32>} : memref<128x48xf32, #tpu.memory_space<vmem>>, vector<16xf32>,
        tpu.vector_store %arg12[%swap3A_118, %swap3A_119], %mul3A_117 {strides = array<i32>} : memref<128x48xf32, #tpu.memory_space<vmem>>, vector<16xf32>,
        %get3A_121 = arith.index_cast %scan3A_104 : i32 to index
        %get3A_122 = arith.constant 32 : index
        %get3A_123 = tpu.vector_load %arg12[%get3A_121, %get3A_122] {strides = array<i32>} : memref<128x48xf32, #tpu.memory_space<vmem>>, vector<16xf32>,
        %mul3A_124 = arith.mulf %get3A_123, %gather3A_106 : vector<16xf32>
        %swap3A_125 = arith.index_cast %scan3A_104 : i32 to index
        %swap3A_126 = arith.constant 32 : index
        %swap3A_127 = tpu.vector_load %arg12[%swap3A_125, %swap3A_126] {strides = array<i32>} : memref<128x48xf32, #tpu.memory_space<vmem>>, vector<16xf32>,
        tpu.vector_store %arg12[%swap3A_125, %swap3A_126], %mul3A_124 {strides = array<i32>} : memref<128x48xf32, #tpu.memory_space<vmem>>, vector<16xf32>,
        %scan3A_128 = arith.constant 3 : i32
        %scan3A_129 = arith.addi %scan3A_58, %scan3A_128 : i32
        %broadcast_in_dim3A_130 = vector.broadcast %scan3A_129 : i32 to vector<16xi32>
        %gather3A_131 = tpu.vector_load_idx %arg11[%broadcast_in_dim3A_130] : memref<128xf32, #tpu.memory_space<vmem>>[vector<16xi32>], vector<16xf32>,
        %get3A_132 = arith.index_cast %scan3A_129 : i32 to index
        %get3A_133 = arith.constant 0 : index
        %get3A_134 = tpu.vector_load %arg12[%get3A_132, %get3A_133] {strides = array<i32>} : memref<128x48xf32, #tpu.memory_space<vmem>>, vector<16xf32>,
        %mul3A_135 = arith.mulf %get3A_134, %gather3A_131 : vector<16xf32>
        %swap3A_136 = arith.index_cast %scan3A_129 : i32 to index
        %swap3A_137 = arith.constant 0 : index
        %swap3A_138 = tpu.vector_load %arg12[%swap3A_136, %swap3A_137] {strides = array<i32>} : memref<128x48xf32, #tpu.memory_space<vmem>>, vector<16xf32>,
        tpu.vector_store %arg12[%swap3A_136, %swap3A_137], %mul3A_135 {strides = array<i32>} : memref<128x48xf32, #tpu.memory_space<vmem>>, vector<16xf32>,
        %get3A_139 = arith.index_cast %scan3A_129 : i32 to index
        %get3A_140 = arith.constant 16 : index
        %get3A_141 = tpu.vector_load %arg12[%get3A_139, %get3A_140] {strides = array<i32>} : memref<128x48xf32, #tpu.memory_space<vmem>>, vector<16xf32>,
        %mul3A_142 = arith.mulf %get3A_141, %gather3A_131 : vector<16xf32>
        %swap3A_143 = arith.index_cast %scan3A_129 : i32 to index
        %swap3A_144 = arith.constant 16 : index
        %swap3A_145 = tpu.vector_load %arg12[%swap3A_143, %swap3A_144] {strides = array<i32>} : memref<128x48xf32, #tpu.memory_space<vmem>>, vector<16xf32>,
        tpu.vector_store %arg12[%swap3A_143, %swap3A_144], %mul3A_142 {strides = array<i32>} : memref<128x48xf32, #tpu.memory_space<vmem>>, vector<16xf32>,
        %get3A_146 = arith.index_cast %scan3A_129 : i32 to index
        %get3A_147 = arith.constant 32 : index
        %get3A_148 = tpu.vector_load %arg12[%get3A_146, %get3A_147] {strides = array<i32>} : memref<128x48xf32, #tpu.memory_space<vmem>>, vector<16xf32>,
        %mul3A_149 = arith.mulf %get3A_148, %gather3A_131 : vector<16xf32>
        %swap3A_150 = arith.index_cast %scan3A_129 : i32 to index
        %swap3A_151 = arith.constant 32 : index
        %swap3A_152 = tpu.vector_load %arg12[%swap3A_150, %swap3A_151] {strides = array<i32>} : memref<128x48xf32, #tpu.memory_space<vmem>>, vector<16xf32>,
        tpu.vector_store %arg12[%swap3A_150, %swap3A_151], %mul3A_149 {strides = array<i32>} : memref<128x48xf32, #tpu.memory_space<vmem>>, vector<16xf32>,
      }
      %scan3A_57 = arith.constant 128 : i32
      "tpu.region"() ({
        %run_scoped3A = tpu.sem_alloc : memref<!tpu.dma_semaphore, #tpu.memory_space<semaphore_mem>>
        %dma_start3A_58 = arith.constant 0 : i32
        %dma_start3A_59 = arith.constant 0 : i32
        %dma_start3A_60 = tpu.memref_slice %arg7[%dma_start3A_58, %dma_start3A_59] : memref<10240x48xf32, #tpu.memory_space<vmem_shared>> -> memref<10240x48xf32, #tpu.memory_space<vmem_shared>>
        tpu.enqueue_indirect_dma source(%arg12 : memref<128x48xf32, #tpu.memory_space<vmem>>) target(%dma_start3A_60 : memref<10240x48xf32, #tpu.memory_space<vmem_shared>>) offsets(%arg10 : memref<128xi32, #tpu.memory_space<vmem>>) semaphore(%run_scoped3A : memref<!tpu.dma_semaphore, #tpu.memory_space<semaphore_mem>>) {add = true}
        %dma_wait3A_61 = arith.constant 0 : i32
        %dma_wait3A_62 = arith.constant 0 : i32
        %dma_wait3A_63 = tpu.memref_slice %arg7[%dma_wait3A_61, %dma_wait3A_62] : memref<10240x48xf32, #tpu.memory_space<vmem_shared>> -> memref<10240x48xf32, #tpu.memory_space<vmem_shared>>
        tpu.wait_indirect_dma semaphore(%run_scoped3A : memref<!tpu.dma_semaphore, #tpu.memory_space<semaphore_mem>>) src(%arg12 : memref<128x48xf32, #tpu.memory_space<vmem>>) dst(%dma_wait3A_63 : memref<10240x48xf32, #tpu.memory_space<vmem_shared>>)
        tpu.yield
      }) : () -> ()
    }
    %scan3A_35 = arith.constant 79 : i32
    %barrier3A_36 = arith.constant 0 : index
    tpu.barrier barrier_id(%barrier3A_36)
    %mul3A_37 = arith.constant 640 : i32
    %mul3A_38 = arith.muli %arg1, %mul3A_37 : i32
    %mul3A_39 = arith.constant 10240 : i32
    %mul3A_40 = arith.muli %arg0, %mul3A_39 : i32
    %mul3A_41 = arith.constant 640 : i32
    %mul3A_42 = arith.muli %arg1, %mul3A_41 : i32
    %add3A_43 = arith.addi %mul3A_40, %mul3A_42 : i32
    "tpu.region"() ({
      %run_scoped3A = tpu.sem_alloc : memref<!tpu.dma_semaphore, #tpu.memory_space<semaphore_mem>>
      %dma_start3A = arith.constant 0 : i32
      %dma_start3A_44 = tpu.memref_slice %arg6[%add3A_43, %dma_start3A] : memref<20480x48xf32, #tpu.memory_space<hbm>> -> memref<640x48xf32, #tpu.memory_space<hbm>>
      %dma_start3A_45 = arith.constant 0 : i32
      %dma_start3A_46 = tpu.memref_slice %arg7[%mul3A_38, %dma_start3A_45] : memref<10240x48xf32, #tpu.memory_space<vmem_shared>> -> memref<640x48xf32, #tpu.memory_space<vmem_shared>>
      tpu.enqueue_dma source(%dma_start3A_46 : memref<640x48xf32, #tpu.memory_space<vmem_shared>>) target(%dma_start3A_44 : memref<640x48xf32, #tpu.memory_space<hbm>>) target_semaphore(%run_scoped3A : memref<!tpu.dma_semaphore, #tpu.memory_space<semaphore_mem>>)
      %dma_wait3A = arith.constant 0 : i32
      %dma_wait3A_47 = tpu.memref_slice %arg6[%add3A_43, %dma_wait3A] : memref<20480x48xf32, #tpu.memory_space<hbm>> -> memref<640x48xf32, #tpu.memory_space<hbm>>
      %dma_wait3A_48 = arith.constant 0 : i32
      %dma_wait3A_49 = tpu.memref_slice %arg7[%mul3A_38, %dma_wait3A_48] : memref<10240x48xf32, #tpu.memory_space<vmem_shared>> -> memref<640x48xf32, #tpu.memory_space<vmem_shared>>
      tpu.wait_dma2 semaphore(%run_scoped3A : memref<!tpu.dma_semaphore, #tpu.memory_space<semaphore_mem>>) src(%dma_wait3A_49 : memref<640x48xf32, #tpu.memory_space<vmem_shared>>) dst(%dma_wait3A_47 : memref<640x48xf32, #tpu.memory_space<hbm>>)
      tpu.yield
    }) : () -> ()
    return
  }
}

#map = affine_map<(d0, d1) -> (0, 0)>
module attributes {stable_mosaic.version = 14 : i64} {
  func.func @sc_agg(%arg0: i32, %arg1: i32, %arg2: memref<10240x16xf32, #tpu.memory_space<hbm>>, %arg3: memref<2528x128xi32, #tpu.memory_space<hbm>>, %arg4: memref<2528x128xi32, #tpu.memory_space<hbm>>, %arg5: memref<2528x128xf32, #tpu.memory_space<hbm>>, %arg6: memref<20480x16xf32, #tpu.memory_space<hbm>>, %arg7: memref<10240x16xf32, #tpu.memory_space<vmem_shared>>, %arg8: memref<10240x16xf32, #tpu.memory_space<vmem_shared>>, %arg9: memref<128xi32, #tpu.memory_space<vmem>>, %arg10: memref<128xi32, #tpu.memory_space<vmem>>, %arg11: memref<128xf32, #tpu.memory_space<vmem>>, %arg12: memref<128x16xf32, #tpu.memory_space<vmem>>, %arg13: memref<!tpu.dma_semaphore, #tpu.memory_space<semaphore_mem>>) attributes {dimension_semantics = [#tpu.dimension_semantics<core_parallel>, #tpu.dimension_semantics<subcore_parallel>], iteration_bounds = array<i64: 2, 16>, scalar_prefetch = 0 : i64, scratch_operands = 7 : i64, tpu.core_type = #tpu.core_type<sc_vector_subcore>, window_params = [{transform_indices = #map}, {transform_indices = #map}, {transform_indices = #map}, {transform_indices = #map}, {transform_indices = #map}]} {
    %mul3A = arith.constant 640 : i32
    %mul3A_0 = arith.muli %arg1, %mul3A : i32
    %mul3A_1 = arith.constant 640 : i32
    %mul3A_2 = arith.muli %arg1, %mul3A_1 : i32
    "tpu.region"() ({
      %run_scoped3A = tpu.sem_alloc : memref<!tpu.dma_semaphore, #tpu.memory_space<semaphore_mem>>
      %dma_start3A = arith.constant 0 : i32
      %dma_start3A_44 = tpu.memref_slice %arg8[%mul3A_2, %dma_start3A] : memref<10240x16xf32, #tpu.memory_space<vmem_shared>> -> memref<640x16xf32, #tpu.memory_space<vmem_shared>>
      %dma_start3A_45 = arith.constant 0 : i32
      %dma_start3A_46 = tpu.memref_slice %arg2[%mul3A_0, %dma_start3A_45] : memref<10240x16xf32, #tpu.memory_space<hbm>> -> memref<640x16xf32, #tpu.memory_space<hbm>>
      tpu.enqueue_dma source(%dma_start3A_46 : memref<640x16xf32, #tpu.memory_space<hbm>>) target(%dma_start3A_44 : memref<640x16xf32, #tpu.memory_space<vmem_shared>>) target_semaphore(%run_scoped3A : memref<!tpu.dma_semaphore, #tpu.memory_space<semaphore_mem>>)
      %dma_wait3A = arith.constant 0 : i32
      %dma_wait3A_47 = tpu.memref_slice %arg8[%mul3A_2, %dma_wait3A] : memref<10240x16xf32, #tpu.memory_space<vmem_shared>> -> memref<640x16xf32, #tpu.memory_space<vmem_shared>>
      %dma_wait3A_48 = arith.constant 0 : i32
      %dma_wait3A_49 = tpu.memref_slice %arg2[%mul3A_0, %dma_wait3A_48] : memref<10240x16xf32, #tpu.memory_space<hbm>> -> memref<640x16xf32, #tpu.memory_space<hbm>>
      tpu.wait_dma2 semaphore(%run_scoped3A : memref<!tpu.dma_semaphore, #tpu.memory_space<semaphore_mem>>) src(%dma_wait3A_49 : memref<640x16xf32, #tpu.memory_space<hbm>>) dst(%dma_wait3A_47 : memref<640x16xf32, #tpu.memory_space<vmem_shared>>)
      tpu.yield
    }) : () -> ()
    %scan3A = arith.constant 0 : i32
    %scan3A_3 = arith.constant 0 : i32
    %scan3A_4 = arith.constant 128 : i32
    %scan3A_5 = arith.addi %scan3A_3, %scan3A_4 : i32
    %scan3A_6 = arith.constant 1 : i32
    scf.for %scan3A_44 = %scan3A_3 to %scan3A_5 step %scan3A_6  : i32 {
      %broadcast_in_dim3A = arith.constant 0.000000e+00 : f32
      %broadcast_in_dim3A_45 = vector.broadcast %broadcast_in_dim3A : f32 to vector<16xf32>
      %swap3A = arith.index_cast %scan3A_44 : i32 to index
      %swap3A_46 = arith.constant 0 : index
      %swap3A_47 = tpu.vector_load %arg12[%swap3A, %swap3A_46] {strides = array<i32>} : memref<128x16xf32, #tpu.memory_space<vmem>>, vector<16xf32>,
      tpu.vector_store %arg12[%swap3A, %swap3A_46], %broadcast_in_dim3A_45 {strides = array<i32>} : memref<128x16xf32, #tpu.memory_space<vmem>>, vector<16xf32>,
    }
    %scan3A_7 = arith.constant 128 : i32
    %mul3A_8 = arith.constant 640 : i32
    %mul3A_9 = arith.muli %arg1, %mul3A_8 : i32
    %add3A = arith.constant 0 : i32
    %add3A_10 = arith.addi %mul3A_9, %add3A : i32
    "tpu.region"() ({
      %run_scoped3A = tpu.sem_alloc : memref<!tpu.dma_semaphore, #tpu.memory_space<semaphore_mem>>
      %dma_start3A = arith.constant 0 : i32
      %dma_start3A_44 = tpu.memref_slice %arg7[%add3A_10, %dma_start3A] : memref<10240x16xf32, #tpu.memory_space<vmem_shared>> -> memref<128x16xf32, #tpu.memory_space<vmem_shared>>
      %dma_start3A_45 = arith.constant 0 : i32
      %dma_start3A_46 = tpu.memref_slice %arg7[%add3A_10, %dma_start3A_45] : memref<10240x16xf32, #tpu.memory_space<vmem_shared>> -> memref<128x16xf32, #tpu.memory_space<vmem_shared>>
      tpu.enqueue_dma source(%arg12 : memref<128x16xf32, #tpu.memory_space<vmem>>) target(%dma_start3A_46 : memref<128x16xf32, #tpu.memory_space<vmem_shared>>) target_semaphore(%run_scoped3A : memref<!tpu.dma_semaphore, #tpu.memory_space<semaphore_mem>>)
      %dma_wait3A = arith.constant 0 : i32
      %dma_wait3A_47 = tpu.memref_slice %arg7[%add3A_10, %dma_wait3A] : memref<10240x16xf32, #tpu.memory_space<vmem_shared>> -> memref<128x16xf32, #tpu.memory_space<vmem_shared>>
      %dma_wait3A_48 = arith.constant 0 : i32
      %dma_wait3A_49 = tpu.memref_slice %arg7[%add3A_10, %dma_wait3A_48] : memref<10240x16xf32, #tpu.memory_space<vmem_shared>> -> memref<128x16xf32, #tpu.memory_space<vmem_shared>>
      tpu.wait_dma2 semaphore(%run_scoped3A : memref<!tpu.dma_semaphore, #tpu.memory_space<semaphore_mem>>) src(%arg12 : memref<128x16xf32, #tpu.memory_space<vmem>>) dst(%dma_wait3A_49 : memref<128x16xf32, #tpu.memory_space<vmem_shared>>)
      tpu.yield
    }) : () -> ()
    %mul3A_11 = arith.constant 640 : i32
    %mul3A_12 = arith.muli %arg1, %mul3A_11 : i32
    %add3A_13 = arith.constant 128 : i32
    %add3A_14 = arith.addi %mul3A_12, %add3A_13 : i32
    "tpu.region"() ({
      %run_scoped3A = tpu.sem_alloc : memref<!tpu.dma_semaphore, #tpu.memory_space<semaphore_mem>>
      %dma_start3A = arith.constant 0 : i32
      %dma_start3A_44 = tpu.memref_slice %arg7[%add3A_14, %dma_start3A] : memref<10240x16xf32, #tpu.memory_space<vmem_shared>> -> memref<128x16xf32, #tpu.memory_space<vmem_shared>>
      %dma_start3A_45 = arith.constant 0 : i32
      %dma_start3A_46 = tpu.memref_slice %arg7[%add3A_14, %dma_start3A_45] : memref<10240x16xf32, #tpu.memory_space<vmem_shared>> -> memref<128x16xf32, #tpu.memory_space<vmem_shared>>
      tpu.enqueue_dma source(%arg12 : memref<128x16xf32, #tpu.memory_space<vmem>>) target(%dma_start3A_46 : memref<128x16xf32, #tpu.memory_space<vmem_shared>>) target_semaphore(%run_scoped3A : memref<!tpu.dma_semaphore, #tpu.memory_space<semaphore_mem>>)
      %dma_wait3A = arith.constant 0 : i32
      %dma_wait3A_47 = tpu.memref_slice %arg7[%add3A_14, %dma_wait3A] : memref<10240x16xf32, #tpu.memory_space<vmem_shared>> -> memref<128x16xf32, #tpu.memory_space<vmem_shared>>
      %dma_wait3A_48 = arith.constant 0 : i32
      %dma_wait3A_49 = tpu.memref_slice %arg7[%add3A_14, %dma_wait3A_48] : memref<10240x16xf32, #tpu.memory_space<vmem_shared>> -> memref<128x16xf32, #tpu.memory_space<vmem_shared>>
      tpu.wait_dma2 semaphore(%run_scoped3A : memref<!tpu.dma_semaphore, #tpu.memory_space<semaphore_mem>>) src(%arg12 : memref<128x16xf32, #tpu.memory_space<vmem>>) dst(%dma_wait3A_49 : memref<128x16xf32, #tpu.memory_space<vmem_shared>>)
      tpu.yield
    }) : () -> ()
    %mul3A_15 = arith.constant 640 : i32
    %mul3A_16 = arith.muli %arg1, %mul3A_15 : i32
    %add3A_17 = arith.constant 256 : i32
    %add3A_18 = arith.addi %mul3A_16, %add3A_17 : i32
    "tpu.region"() ({
      %run_scoped3A = tpu.sem_alloc : memref<!tpu.dma_semaphore, #tpu.memory_space<semaphore_mem>>
      %dma_start3A = arith.constant 0 : i32
      %dma_start3A_44 = tpu.memref_slice %arg7[%add3A_18, %dma_start3A] : memref<10240x16xf32, #tpu.memory_space<vmem_shared>> -> memref<128x16xf32, #tpu.memory_space<vmem_shared>>
      %dma_start3A_45 = arith.constant 0 : i32
      %dma_start3A_46 = tpu.memref_slice %arg7[%add3A_18, %dma_start3A_45] : memref<10240x16xf32, #tpu.memory_space<vmem_shared>> -> memref<128x16xf32, #tpu.memory_space<vmem_shared>>
      tpu.enqueue_dma source(%arg12 : memref<128x16xf32, #tpu.memory_space<vmem>>) target(%dma_start3A_46 : memref<128x16xf32, #tpu.memory_space<vmem_shared>>) target_semaphore(%run_scoped3A : memref<!tpu.dma_semaphore, #tpu.memory_space<semaphore_mem>>)
      %dma_wait3A = arith.constant 0 : i32
      %dma_wait3A_47 = tpu.memref_slice %arg7[%add3A_18, %dma_wait3A] : memref<10240x16xf32, #tpu.memory_space<vmem_shared>> -> memref<128x16xf32, #tpu.memory_space<vmem_shared>>
      %dma_wait3A_48 = arith.constant 0 : i32
      %dma_wait3A_49 = tpu.memref_slice %arg7[%add3A_18, %dma_wait3A_48] : memref<10240x16xf32, #tpu.memory_space<vmem_shared>> -> memref<128x16xf32, #tpu.memory_space<vmem_shared>>
      tpu.wait_dma2 semaphore(%run_scoped3A : memref<!tpu.dma_semaphore, #tpu.memory_space<semaphore_mem>>) src(%arg12 : memref<128x16xf32, #tpu.memory_space<vmem>>) dst(%dma_wait3A_49 : memref<128x16xf32, #tpu.memory_space<vmem_shared>>)
      tpu.yield
    }) : () -> ()
    %mul3A_19 = arith.constant 640 : i32
    %mul3A_20 = arith.muli %arg1, %mul3A_19 : i32
    %add3A_21 = arith.constant 384 : i32
    %add3A_22 = arith.addi %mul3A_20, %add3A_21 : i32
    "tpu.region"() ({
      %run_scoped3A = tpu.sem_alloc : memref<!tpu.dma_semaphore, #tpu.memory_space<semaphore_mem>>
      %dma_start3A = arith.constant 0 : i32
      %dma_start3A_44 = tpu.memref_slice %arg7[%add3A_22, %dma_start3A] : memref<10240x16xf32, #tpu.memory_space<vmem_shared>> -> memref<128x16xf32, #tpu.memory_space<vmem_shared>>
      %dma_start3A_45 = arith.constant 0 : i32
      %dma_start3A_46 = tpu.memref_slice %arg7[%add3A_22, %dma_start3A_45] : memref<10240x16xf32, #tpu.memory_space<vmem_shared>> -> memref<128x16xf32, #tpu.memory_space<vmem_shared>>
      tpu.enqueue_dma source(%arg12 : memref<128x16xf32, #tpu.memory_space<vmem>>) target(%dma_start3A_46 : memref<128x16xf32, #tpu.memory_space<vmem_shared>>) target_semaphore(%run_scoped3A : memref<!tpu.dma_semaphore, #tpu.memory_space<semaphore_mem>>)
      %dma_wait3A = arith.constant 0 : i32
      %dma_wait3A_47 = tpu.memref_slice %arg7[%add3A_22, %dma_wait3A] : memref<10240x16xf32, #tpu.memory_space<vmem_shared>> -> memref<128x16xf32, #tpu.memory_space<vmem_shared>>
      %dma_wait3A_48 = arith.constant 0 : i32
      %dma_wait3A_49 = tpu.memref_slice %arg7[%add3A_22, %dma_wait3A_48] : memref<10240x16xf32, #tpu.memory_space<vmem_shared>> -> memref<128x16xf32, #tpu.memory_space<vmem_shared>>
      tpu.wait_dma2 semaphore(%run_scoped3A : memref<!tpu.dma_semaphore, #tpu.memory_space<semaphore_mem>>) src(%arg12 : memref<128x16xf32, #tpu.memory_space<vmem>>) dst(%dma_wait3A_49 : memref<128x16xf32, #tpu.memory_space<vmem_shared>>)
      tpu.yield
    }) : () -> ()
    %mul3A_23 = arith.constant 640 : i32
    %mul3A_24 = arith.muli %arg1, %mul3A_23 : i32
    %add3A_25 = arith.constant 512 : i32
    %add3A_26 = arith.addi %mul3A_24, %add3A_25 : i32
    "tpu.region"() ({
      %run_scoped3A = tpu.sem_alloc : memref<!tpu.dma_semaphore, #tpu.memory_space<semaphore_mem>>
      %dma_start3A = arith.constant 0 : i32
      %dma_start3A_44 = tpu.memref_slice %arg7[%add3A_26, %dma_start3A] : memref<10240x16xf32, #tpu.memory_space<vmem_shared>> -> memref<128x16xf32, #tpu.memory_space<vmem_shared>>
      %dma_start3A_45 = arith.constant 0 : i32
      %dma_start3A_46 = tpu.memref_slice %arg7[%add3A_26, %dma_start3A_45] : memref<10240x16xf32, #tpu.memory_space<vmem_shared>> -> memref<128x16xf32, #tpu.memory_space<vmem_shared>>
      tpu.enqueue_dma source(%arg12 : memref<128x16xf32, #tpu.memory_space<vmem>>) target(%dma_start3A_46 : memref<128x16xf32, #tpu.memory_space<vmem_shared>>) target_semaphore(%run_scoped3A : memref<!tpu.dma_semaphore, #tpu.memory_space<semaphore_mem>>)
      %dma_wait3A = arith.constant 0 : i32
      %dma_wait3A_47 = tpu.memref_slice %arg7[%add3A_26, %dma_wait3A] : memref<10240x16xf32, #tpu.memory_space<vmem_shared>> -> memref<128x16xf32, #tpu.memory_space<vmem_shared>>
      %dma_wait3A_48 = arith.constant 0 : i32
      %dma_wait3A_49 = tpu.memref_slice %arg7[%add3A_26, %dma_wait3A_48] : memref<10240x16xf32, #tpu.memory_space<vmem_shared>> -> memref<128x16xf32, #tpu.memory_space<vmem_shared>>
      tpu.wait_dma2 semaphore(%run_scoped3A : memref<!tpu.dma_semaphore, #tpu.memory_space<semaphore_mem>>) src(%arg12 : memref<128x16xf32, #tpu.memory_space<vmem>>) dst(%dma_wait3A_49 : memref<128x16xf32, #tpu.memory_space<vmem_shared>>)
      tpu.yield
    }) : () -> ()
    %barrier3A = arith.constant 0 : index
    tpu.barrier barrier_id(%barrier3A)
    %mul3A_27 = arith.constant 2 : i32
    %mul3A_28 = arith.muli %arg1, %mul3A_27 : i32
    %add3A_29 = arith.addi %mul3A_28, %arg0 : i32
    %scan3A_30 = arith.constant 0 : i32
    %scan3A_31 = arith.constant 0 : i32
    %scan3A_32 = arith.constant 79 : i32
    %scan3A_33 = arith.addi %scan3A_31, %scan3A_32 : i32
    %scan3A_34 = arith.constant 1 : i32
    scf.for %scan3A_44 = %scan3A_31 to %scan3A_33 step %scan3A_34  : i32 {
      %mul3A_45 = arith.constant 79 : i32
      %mul3A_46 = arith.muli %add3A_29, %mul3A_45 : i32
      %add3A_47 = arith.addi %mul3A_46, %scan3A_44 : i32
      "tpu.region"() ({
        %run_scoped3A = tpu.sem_alloc : memref<!tpu.dma_semaphore, #tpu.memory_space<semaphore_mem>>
        %dma_start3A_58 = arith.constant 0 : i32
        %dma_start3A_59 = tpu.memref_slice %arg3[%add3A_47, %dma_start3A_58] : memref<2528x128xi32, #tpu.memory_space<hbm>> -> memref<1x128xi32, #tpu.memory_space<hbm>>
        %dma_start3A_60 = tpu.memref_squeeze %dma_start3A_59 : memref<1x128xi32, #tpu.memory_space<hbm>> -> memref<128xi32, #tpu.memory_space<hbm>>
        %dma_start3A_61 = arith.constant 0 : i32
        %dma_start3A_62 = tpu.memref_slice %arg3[%add3A_47, %dma_start3A_61] : memref<2528x128xi32, #tpu.memory_space<hbm>> -> memref<1x128xi32, #tpu.memory_space<hbm>>
        %dma_start3A_63 = tpu.memref_squeeze %dma_start3A_62 : memref<1x128xi32, #tpu.memory_space<hbm>> -> memref<128xi32, #tpu.memory_space<hbm>>
        tpu.enqueue_dma source(%dma_start3A_63 : memref<128xi32, #tpu.memory_space<hbm>>) target(%arg9 : memref<128xi32, #tpu.memory_space<vmem>>) target_semaphore(%run_scoped3A : memref<!tpu.dma_semaphore, #tpu.memory_space<semaphore_mem>>)
        %dma_wait3A_64 = arith.constant 0 : i32
        %dma_wait3A_65 = tpu.memref_slice %arg3[%add3A_47, %dma_wait3A_64] : memref<2528x128xi32, #tpu.memory_space<hbm>> -> memref<1x128xi32, #tpu.memory_space<hbm>>
        %dma_wait3A_66 = tpu.memref_squeeze %dma_wait3A_65 : memref<1x128xi32, #tpu.memory_space<hbm>> -> memref<128xi32, #tpu.memory_space<hbm>>
        %dma_wait3A_67 = arith.constant 0 : i32
        %dma_wait3A_68 = tpu.memref_slice %arg3[%add3A_47, %dma_wait3A_67] : memref<2528x128xi32, #tpu.memory_space<hbm>> -> memref<1x128xi32, #tpu.memory_space<hbm>>
        %dma_wait3A_69 = tpu.memref_squeeze %dma_wait3A_68 : memref<1x128xi32, #tpu.memory_space<hbm>> -> memref<128xi32, #tpu.memory_space<hbm>>
        tpu.wait_dma2 semaphore(%run_scoped3A : memref<!tpu.dma_semaphore, #tpu.memory_space<semaphore_mem>>) src(%dma_wait3A_69 : memref<128xi32, #tpu.memory_space<hbm>>) dst(%arg9 : memref<128xi32, #tpu.memory_space<vmem>>)
        tpu.yield
      }) : () -> ()
      "tpu.region"() ({
        %run_scoped3A = tpu.sem_alloc : memref<!tpu.dma_semaphore, #tpu.memory_space<semaphore_mem>>
        %dma_start3A_58 = arith.constant 0 : i32
        %dma_start3A_59 = tpu.memref_slice %arg4[%add3A_47, %dma_start3A_58] : memref<2528x128xi32, #tpu.memory_space<hbm>> -> memref<1x128xi32, #tpu.memory_space<hbm>>
        %dma_start3A_60 = tpu.memref_squeeze %dma_start3A_59 : memref<1x128xi32, #tpu.memory_space<hbm>> -> memref<128xi32, #tpu.memory_space<hbm>>
        %dma_start3A_61 = arith.constant 0 : i32
        %dma_start3A_62 = tpu.memref_slice %arg4[%add3A_47, %dma_start3A_61] : memref<2528x128xi32, #tpu.memory_space<hbm>> -> memref<1x128xi32, #tpu.memory_space<hbm>>
        %dma_start3A_63 = tpu.memref_squeeze %dma_start3A_62 : memref<1x128xi32, #tpu.memory_space<hbm>> -> memref<128xi32, #tpu.memory_space<hbm>>
        tpu.enqueue_dma source(%dma_start3A_63 : memref<128xi32, #tpu.memory_space<hbm>>) target(%arg10 : memref<128xi32, #tpu.memory_space<vmem>>) target_semaphore(%run_scoped3A : memref<!tpu.dma_semaphore, #tpu.memory_space<semaphore_mem>>)
        %dma_wait3A_64 = arith.constant 0 : i32
        %dma_wait3A_65 = tpu.memref_slice %arg4[%add3A_47, %dma_wait3A_64] : memref<2528x128xi32, #tpu.memory_space<hbm>> -> memref<1x128xi32, #tpu.memory_space<hbm>>
        %dma_wait3A_66 = tpu.memref_squeeze %dma_wait3A_65 : memref<1x128xi32, #tpu.memory_space<hbm>> -> memref<128xi32, #tpu.memory_space<hbm>>
        %dma_wait3A_67 = arith.constant 0 : i32
        %dma_wait3A_68 = tpu.memref_slice %arg4[%add3A_47, %dma_wait3A_67] : memref<2528x128xi32, #tpu.memory_space<hbm>> -> memref<1x128xi32, #tpu.memory_space<hbm>>
        %dma_wait3A_69 = tpu.memref_squeeze %dma_wait3A_68 : memref<1x128xi32, #tpu.memory_space<hbm>> -> memref<128xi32, #tpu.memory_space<hbm>>
        tpu.wait_dma2 semaphore(%run_scoped3A : memref<!tpu.dma_semaphore, #tpu.memory_space<semaphore_mem>>) src(%dma_wait3A_69 : memref<128xi32, #tpu.memory_space<hbm>>) dst(%arg10 : memref<128xi32, #tpu.memory_space<vmem>>)
        tpu.yield
      }) : () -> ()
      "tpu.region"() ({
        %run_scoped3A = tpu.sem_alloc : memref<!tpu.dma_semaphore, #tpu.memory_space<semaphore_mem>>
        %dma_start3A_58 = arith.constant 0 : i32
        %dma_start3A_59 = tpu.memref_slice %arg5[%add3A_47, %dma_start3A_58] : memref<2528x128xf32, #tpu.memory_space<hbm>> -> memref<1x128xf32, #tpu.memory_space<hbm>>
        %dma_start3A_60 = tpu.memref_squeeze %dma_start3A_59 : memref<1x128xf32, #tpu.memory_space<hbm>> -> memref<128xf32, #tpu.memory_space<hbm>>
        %dma_start3A_61 = arith.constant 0 : i32
        %dma_start3A_62 = tpu.memref_slice %arg5[%add3A_47, %dma_start3A_61] : memref<2528x128xf32, #tpu.memory_space<hbm>> -> memref<1x128xf32, #tpu.memory_space<hbm>>
        %dma_start3A_63 = tpu.memref_squeeze %dma_start3A_62 : memref<1x128xf32, #tpu.memory_space<hbm>> -> memref<128xf32, #tpu.memory_space<hbm>>
        tpu.enqueue_dma source(%dma_start3A_63 : memref<128xf32, #tpu.memory_space<hbm>>) target(%arg11 : memref<128xf32, #tpu.memory_space<vmem>>) target_semaphore(%run_scoped3A : memref<!tpu.dma_semaphore, #tpu.memory_space<semaphore_mem>>)
        %dma_wait3A_64 = arith.constant 0 : i32
        %dma_wait3A_65 = tpu.memref_slice %arg5[%add3A_47, %dma_wait3A_64] : memref<2528x128xf32, #tpu.memory_space<hbm>> -> memref<1x128xf32, #tpu.memory_space<hbm>>
        %dma_wait3A_66 = tpu.memref_squeeze %dma_wait3A_65 : memref<1x128xf32, #tpu.memory_space<hbm>> -> memref<128xf32, #tpu.memory_space<hbm>>
        %dma_wait3A_67 = arith.constant 0 : i32
        %dma_wait3A_68 = tpu.memref_slice %arg5[%add3A_47, %dma_wait3A_67] : memref<2528x128xf32, #tpu.memory_space<hbm>> -> memref<1x128xf32, #tpu.memory_space<hbm>>
        %dma_wait3A_69 = tpu.memref_squeeze %dma_wait3A_68 : memref<1x128xf32, #tpu.memory_space<hbm>> -> memref<128xf32, #tpu.memory_space<hbm>>
        tpu.wait_dma2 semaphore(%run_scoped3A : memref<!tpu.dma_semaphore, #tpu.memory_space<semaphore_mem>>) src(%dma_wait3A_69 : memref<128xf32, #tpu.memory_space<hbm>>) dst(%arg11 : memref<128xf32, #tpu.memory_space<vmem>>)
        tpu.yield
      }) : () -> ()
      %dma_start3A = arith.constant 0 : i32
      %dma_start3A_48 = arith.constant 0 : i32
      %dma_start3A_49 = tpu.memref_slice %arg8[%dma_start3A, %dma_start3A_48] : memref<10240x16xf32, #tpu.memory_space<vmem_shared>> -> memref<10240x16xf32, #tpu.memory_space<vmem_shared>>
      tpu.enqueue_indirect_dma source(%dma_start3A_49 : memref<10240x16xf32, #tpu.memory_space<vmem_shared>>) target(%arg12 : memref<128x16xf32, #tpu.memory_space<vmem>>) offsets(%arg9 : memref<128xi32, #tpu.memory_space<vmem>>) semaphore(%arg13 : memref<!tpu.dma_semaphore, #tpu.memory_space<semaphore_mem>>)
      %dma_wait3A = arith.constant 0 : i32
      %dma_wait3A_50 = arith.constant 0 : i32
      %dma_wait3A_51 = tpu.memref_slice %arg8[%dma_wait3A, %dma_wait3A_50] : memref<10240x16xf32, #tpu.memory_space<vmem_shared>> -> memref<10240x16xf32, #tpu.memory_space<vmem_shared>>
      tpu.wait_indirect_dma semaphore(%arg13 : memref<!tpu.dma_semaphore, #tpu.memory_space<semaphore_mem>>) src(%dma_wait3A_51 : memref<10240x16xf32, #tpu.memory_space<vmem_shared>>) dst(%arg12 : memref<128x16xf32, #tpu.memory_space<vmem>>)
      %scan3A_52 = arith.constant 0 : i32
      %scan3A_53 = arith.constant 0 : i32
      %scan3A_54 = arith.constant 128 : i32
      %scan3A_55 = arith.addi %scan3A_53, %scan3A_54 : i32
      %scan3A_56 = arith.constant 4 : i32
      scf.for %scan3A_58 = %scan3A_53 to %scan3A_55 step %scan3A_56  : i32 {
        %broadcast_in_dim3A = vector.broadcast %scan3A_58 : i32 to vector<16xi32>
        %gather3A = tpu.vector_load_idx %arg11[%broadcast_in_dim3A] : memref<128xf32, #tpu.memory_space<vmem>>[vector<16xi32>], vector<16xf32>,
        %get3A = arith.index_cast %scan3A_58 : i32 to index
        %get3A_59 = arith.constant 0 : index
        %get3A_60 = tpu.vector_load %arg12[%get3A, %get3A_59] {strides = array<i32>} : memref<128x16xf32, #tpu.memory_space<vmem>>, vector<16xf32>,
        %mul3A_61 = arith.mulf %get3A_60, %gather3A : vector<16xf32>
        %swap3A = arith.index_cast %scan3A_58 : i32 to index
        %swap3A_62 = arith.constant 0 : index
        %swap3A_63 = tpu.vector_load %arg12[%swap3A, %swap3A_62] {strides = array<i32>} : memref<128x16xf32, #tpu.memory_space<vmem>>, vector<16xf32>,
        tpu.vector_store %arg12[%swap3A, %swap3A_62], %mul3A_61 {strides = array<i32>} : memref<128x16xf32, #tpu.memory_space<vmem>>, vector<16xf32>,
        %scan3A_64 = arith.constant 1 : i32
        %scan3A_65 = arith.addi %scan3A_58, %scan3A_64 : i32
        %broadcast_in_dim3A_66 = vector.broadcast %scan3A_65 : i32 to vector<16xi32>
        %gather3A_67 = tpu.vector_load_idx %arg11[%broadcast_in_dim3A_66] : memref<128xf32, #tpu.memory_space<vmem>>[vector<16xi32>], vector<16xf32>,
        %get3A_68 = arith.index_cast %scan3A_65 : i32 to index
        %get3A_69 = arith.constant 0 : index
        %get3A_70 = tpu.vector_load %arg12[%get3A_68, %get3A_69] {strides = array<i32>} : memref<128x16xf32, #tpu.memory_space<vmem>>, vector<16xf32>,
        %mul3A_71 = arith.mulf %get3A_70, %gather3A_67 : vector<16xf32>
        %swap3A_72 = arith.index_cast %scan3A_65 : i32 to index
        %swap3A_73 = arith.constant 0 : index
        %swap3A_74 = tpu.vector_load %arg12[%swap3A_72, %swap3A_73] {strides = array<i32>} : memref<128x16xf32, #tpu.memory_space<vmem>>, vector<16xf32>,
        tpu.vector_store %arg12[%swap3A_72, %swap3A_73], %mul3A_71 {strides = array<i32>} : memref<128x16xf32, #tpu.memory_space<vmem>>, vector<16xf32>,
        %scan3A_75 = arith.constant 2 : i32
        %scan3A_76 = arith.addi %scan3A_58, %scan3A_75 : i32
        %broadcast_in_dim3A_77 = vector.broadcast %scan3A_76 : i32 to vector<16xi32>
        %gather3A_78 = tpu.vector_load_idx %arg11[%broadcast_in_dim3A_77] : memref<128xf32, #tpu.memory_space<vmem>>[vector<16xi32>], vector<16xf32>,
        %get3A_79 = arith.index_cast %scan3A_76 : i32 to index
        %get3A_80 = arith.constant 0 : index
        %get3A_81 = tpu.vector_load %arg12[%get3A_79, %get3A_80] {strides = array<i32>} : memref<128x16xf32, #tpu.memory_space<vmem>>, vector<16xf32>,
        %mul3A_82 = arith.mulf %get3A_81, %gather3A_78 : vector<16xf32>
        %swap3A_83 = arith.index_cast %scan3A_76 : i32 to index
        %swap3A_84 = arith.constant 0 : index
        %swap3A_85 = tpu.vector_load %arg12[%swap3A_83, %swap3A_84] {strides = array<i32>} : memref<128x16xf32, #tpu.memory_space<vmem>>, vector<16xf32>,
        tpu.vector_store %arg12[%swap3A_83, %swap3A_84], %mul3A_82 {strides = array<i32>} : memref<128x16xf32, #tpu.memory_space<vmem>>, vector<16xf32>,
        %scan3A_86 = arith.constant 3 : i32
        %scan3A_87 = arith.addi %scan3A_58, %scan3A_86 : i32
        %broadcast_in_dim3A_88 = vector.broadcast %scan3A_87 : i32 to vector<16xi32>
        %gather3A_89 = tpu.vector_load_idx %arg11[%broadcast_in_dim3A_88] : memref<128xf32, #tpu.memory_space<vmem>>[vector<16xi32>], vector<16xf32>,
        %get3A_90 = arith.index_cast %scan3A_87 : i32 to index
        %get3A_91 = arith.constant 0 : index
        %get3A_92 = tpu.vector_load %arg12[%get3A_90, %get3A_91] {strides = array<i32>} : memref<128x16xf32, #tpu.memory_space<vmem>>, vector<16xf32>,
        %mul3A_93 = arith.mulf %get3A_92, %gather3A_89 : vector<16xf32>
        %swap3A_94 = arith.index_cast %scan3A_87 : i32 to index
        %swap3A_95 = arith.constant 0 : index
        %swap3A_96 = tpu.vector_load %arg12[%swap3A_94, %swap3A_95] {strides = array<i32>} : memref<128x16xf32, #tpu.memory_space<vmem>>, vector<16xf32>,
        tpu.vector_store %arg12[%swap3A_94, %swap3A_95], %mul3A_93 {strides = array<i32>} : memref<128x16xf32, #tpu.memory_space<vmem>>, vector<16xf32>,
      }
      %scan3A_57 = arith.constant 128 : i32
      "tpu.region"() ({
        %run_scoped3A = tpu.sem_alloc : memref<!tpu.dma_semaphore, #tpu.memory_space<semaphore_mem>>
        %dma_start3A_58 = arith.constant 0 : i32
        %dma_start3A_59 = arith.constant 0 : i32
        %dma_start3A_60 = tpu.memref_slice %arg7[%dma_start3A_58, %dma_start3A_59] : memref<10240x16xf32, #tpu.memory_space<vmem_shared>> -> memref<10240x16xf32, #tpu.memory_space<vmem_shared>>
        tpu.enqueue_indirect_dma source(%arg12 : memref<128x16xf32, #tpu.memory_space<vmem>>) target(%dma_start3A_60 : memref<10240x16xf32, #tpu.memory_space<vmem_shared>>) offsets(%arg10 : memref<128xi32, #tpu.memory_space<vmem>>) semaphore(%run_scoped3A : memref<!tpu.dma_semaphore, #tpu.memory_space<semaphore_mem>>) {add = true}
        %dma_wait3A_61 = arith.constant 0 : i32
        %dma_wait3A_62 = arith.constant 0 : i32
        %dma_wait3A_63 = tpu.memref_slice %arg7[%dma_wait3A_61, %dma_wait3A_62] : memref<10240x16xf32, #tpu.memory_space<vmem_shared>> -> memref<10240x16xf32, #tpu.memory_space<vmem_shared>>
        tpu.wait_indirect_dma semaphore(%run_scoped3A : memref<!tpu.dma_semaphore, #tpu.memory_space<semaphore_mem>>) src(%arg12 : memref<128x16xf32, #tpu.memory_space<vmem>>) dst(%dma_wait3A_63 : memref<10240x16xf32, #tpu.memory_space<vmem_shared>>)
        tpu.yield
      }) : () -> ()
    }
    %scan3A_35 = arith.constant 79 : i32
    %barrier3A_36 = arith.constant 0 : index
    tpu.barrier barrier_id(%barrier3A_36)
    %mul3A_37 = arith.constant 640 : i32
    %mul3A_38 = arith.muli %arg1, %mul3A_37 : i32
    %mul3A_39 = arith.constant 10240 : i32
    %mul3A_40 = arith.muli %arg0, %mul3A_39 : i32
    %mul3A_41 = arith.constant 640 : i32
    %mul3A_42 = arith.muli %arg1, %mul3A_41 : i32
    %add3A_43 = arith.addi %mul3A_40, %mul3A_42 : i32
    "tpu.region"() ({
      %run_scoped3A = tpu.sem_alloc : memref<!tpu.dma_semaphore, #tpu.memory_space<semaphore_mem>>
      %dma_start3A = arith.constant 0 : i32
      %dma_start3A_44 = tpu.memref_slice %arg6[%add3A_43, %dma_start3A] : memref<20480x16xf32, #tpu.memory_space<hbm>> -> memref<640x16xf32, #tpu.memory_space<hbm>>
      %dma_start3A_45 = arith.constant 0 : i32
      %dma_start3A_46 = tpu.memref_slice %arg7[%mul3A_38, %dma_start3A_45] : memref<10240x16xf32, #tpu.memory_space<vmem_shared>> -> memref<640x16xf32, #tpu.memory_space<vmem_shared>>
      tpu.enqueue_dma source(%dma_start3A_46 : memref<640x16xf32, #tpu.memory_space<vmem_shared>>) target(%dma_start3A_44 : memref<640x16xf32, #tpu.memory_space<hbm>>) target_semaphore(%run_scoped3A : memref<!tpu.dma_semaphore, #tpu.memory_space<semaphore_mem>>)
      %dma_wait3A = arith.constant 0 : i32
      %dma_wait3A_47 = tpu.memref_slice %arg6[%add3A_43, %dma_wait3A] : memref<20480x16xf32, #tpu.memory_space<hbm>> -> memref<640x16xf32, #tpu.memory_space<hbm>>
      %dma_wait3A_48 = arith.constant 0 : i32
      %dma_wait3A_49 = tpu.memref_slice %arg7[%mul3A_38, %dma_wait3A_48] : memref<10240x16xf32, #tpu.memory_space<vmem_shared>> -> memref<640x16xf32, #tpu.memory_space<vmem_shared>>
      tpu.wait_dma2 semaphore(%run_scoped3A : memref<!tpu.dma_semaphore, #tpu.memory_space<semaphore_mem>>) src(%dma_wait3A_49 : memref<640x16xf32, #tpu.memory_space<vmem_shared>>) dst(%dma_wait3A_47 : memref<640x16xf32, #tpu.memory_space<hbm>>)
      tpu.yield
    }) : () -> ()
    return
  }
}

module attributes {stable_mosaic.version = 14 : i64} {
  func.func @_tc1_body(%arg0: memref<20480x16xf32, #tpu.memory_space<vmem>>, %arg1: memref<10240x128xf32, #tpu.memory_space<vmem>>, %arg2: memref<128x16xf32, #tpu.memory_space<vmem>>, %arg3: memref<10240x1xf32, #tpu.memory_space<vmem>>, %arg4: memref<10240x16xf32, #tpu.memory_space<vmem>>, %arg5: memref<10240x16xf32, #tpu.memory_space<vmem>>) attributes {dimension_semantics = [], scalar_prefetch = 0 : i64, scratch_operands = 0 : i64, tpu.core_type = #tpu.core_type<tc>} {
    %get3A = arith.constant 0 : index
    %get3A_0 = arith.constant 0 : index
    %get3A_1 = vector.load %arg0[%get3A, %get3A_0] : memref<20480x16xf32, #tpu.memory_space<vmem>>, vector<10240x1xf32>
    %get3A_2 = arith.constant 10240 : index
    %get3A_3 = arith.constant 0 : index
    %get3A_4 = vector.load %arg0[%get3A_2, %get3A_3] : memref<20480x16xf32, #tpu.memory_space<vmem>>, vector<10240x1xf32>
    %add3A = arith.addf %get3A_1, %get3A_4 : vector<10240x1xf32>
    %add3A_5 = arith.constant 1.000000e+00 : f32
    %add3A_6 = vector.broadcast %add3A_5 : f32 to vector<10240x1xf32>
    %add3A_7 = arith.addf %add3A, %add3A_6 : vector<10240x1xf32>
    %rsqrt3A = math.rsqrt %add3A_7 : vector<10240x1xf32>
    %get3A_8 = arith.constant 0 : index
    %get3A_9 = arith.constant 0 : index
    %get3A_10 = vector.load %arg1[%get3A_8, %get3A_9] : memref<10240x128xf32, #tpu.memory_space<vmem>>, vector<10240x128xf32>
    %get3A_11 = arith.constant 0 : index
    %get3A_12 = arith.constant 0 : index
    %get3A_13 = vector.load %arg2[%get3A_11, %get3A_12] : memref<128x16xf32, #tpu.memory_space<vmem>>, vector<128x16xf32>
    %dot_general3A = arith.constant dense<0.000000e+00> : vector<10240x16xf32>
    %dot_general3A_14 = tpu.matmul %get3A_10, %get3A_13, %dot_general3A {dimension_numbers = #tpu.dot_dimension_numbers<[1], [0], [0], [1], [0, 0, 1, 1], [], []>, transpose_lhs_hint = false} : vector<10240x128xf32>, vector<128x16xf32>, vector<10240x16xf32> -> vector<10240x16xf32>
    %swap3A = arith.constant 0 : index
    %swap3A_15 = arith.constant 0 : index
    %swap3A_16 = vector.load %arg3[%swap3A, %swap3A_15] : memref<10240x1xf32, #tpu.memory_space<vmem>>, vector<10240x1xf32>
    tpu.vector_store %arg3[%swap3A, %swap3A_15], %rsqrt3A {strides = array<i32>} : memref<10240x1xf32, #tpu.memory_space<vmem>>, vector<10240x1xf32>,
    %swap3A_17 = arith.constant 0 : index
    %swap3A_18 = arith.constant 0 : index
    %swap3A_19 = vector.load %arg4[%swap3A_17, %swap3A_18] : memref<10240x16xf32, #tpu.memory_space<vmem>>, vector<10240x16xf32>
    tpu.vector_store %arg4[%swap3A_17, %swap3A_18], %dot_general3A_14 {strides = array<i32>} : memref<10240x16xf32, #tpu.memory_space<vmem>>, vector<10240x16xf32>,
    %mul3A = vector.broadcast %rsqrt3A : vector<10240x1xf32> to vector<10240x16xf32>
    %mul3A_20 = arith.mulf %dot_general3A_14, %mul3A : vector<10240x16xf32>
    %swap3A_21 = arith.constant 0 : index
    %swap3A_22 = arith.constant 0 : index
    %swap3A_23 = vector.load %arg5[%swap3A_21, %swap3A_22] : memref<10240x16xf32, #tpu.memory_space<vmem>>, vector<10240x16xf32>
    tpu.vector_store %arg5[%swap3A_21, %swap3A_22], %mul3A_20 {strides = array<i32>} : memref<10240x16xf32, #tpu.memory_space<vmem>>, vector<10240x16xf32>,
    return
  }
}

module attributes {stable_mosaic.version = 14 : i64} {
  func.func @_tc2_body(%arg0: memref<20480x16xf32, #tpu.memory_space<vmem>>, %arg1: memref<10240x16xf32, #tpu.memory_space<vmem>>, %arg2: memref<10240x1xf32, #tpu.memory_space<vmem>>, %arg3: memref<16x48xf32, #tpu.memory_space<vmem>>, %arg4: memref<1x16xf32, #tpu.memory_space<vmem>>, %arg5: memref<10240x48xf32, #tpu.memory_space<vmem>>, %arg6: memref<10240x48xf32, #tpu.memory_space<vmem>>) attributes {dimension_semantics = [], scalar_prefetch = 0 : i64, scratch_operands = 0 : i64, tpu.core_type = #tpu.core_type<tc>} {
    %get3A = arith.constant 0 : index
    %get3A_0 = arith.constant 0 : index
    %get3A_1 = vector.load %arg2[%get3A, %get3A_0] : memref<10240x1xf32, #tpu.memory_space<vmem>>, vector<10240x1xf32>
    %get3A_2 = arith.constant 0 : index
    %get3A_3 = arith.constant 0 : index
    %get3A_4 = vector.load %arg0[%get3A_2, %get3A_3] : memref<20480x16xf32, #tpu.memory_space<vmem>>, vector<10240x16xf32>
    %get3A_5 = arith.constant 10240 : index
    %get3A_6 = arith.constant 0 : index
    %get3A_7 = vector.load %arg0[%get3A_5, %get3A_6] : memref<20480x16xf32, #tpu.memory_space<vmem>>, vector<10240x16xf32>
    %add3A = arith.addf %get3A_4, %get3A_7 : vector<10240x16xf32>
    %mul3A = vector.broadcast %get3A_1 : vector<10240x1xf32> to vector<10240x16xf32>
    %mul3A_8 = arith.mulf %mul3A, %add3A : vector<10240x16xf32>
    %mul3A_9 = arith.mulf %get3A_1, %get3A_1 : vector<10240x1xf32>
    %get3A_10 = arith.constant 0 : index
    %get3A_11 = arith.constant 0 : index
    %get3A_12 = vector.load %arg1[%get3A_10, %get3A_11] : memref<10240x16xf32, #tpu.memory_space<vmem>>, vector<10240x16xf32>
    %mul3A_13 = vector.broadcast %mul3A_9 : vector<10240x1xf32> to vector<10240x16xf32>
    %mul3A_14 = arith.mulf %mul3A_13, %get3A_12 : vector<10240x16xf32>
    %add3A_15 = arith.addf %mul3A_8, %mul3A_14 : vector<10240x16xf32>
    %get3A_16 = arith.constant 0 : index
    %get3A_17 = arith.constant 0 : index
    %get3A_18 = vector.load %arg4[%get3A_16, %get3A_17] : memref<1x16xf32, #tpu.memory_space<vmem>>, vector<1x16xf32>
    %add3A_19 = vector.broadcast %get3A_18 : vector<1x16xf32> to vector<10240x16xf32>
    %add3A_20 = arith.addf %add3A_15, %add3A_19 : vector<10240x16xf32>
    %get3A_21 = arith.constant 0 : index
    %get3A_22 = arith.constant 0 : index
    %get3A_23 = vector.load %arg3[%get3A_21, %get3A_22] : memref<16x48xf32, #tpu.memory_space<vmem>>, vector<16x48xf32>
    %dot_general3A = arith.constant dense<0.000000e+00> : vector<10240x48xf32>
    %dot_general3A_24 = tpu.matmul %add3A_20, %get3A_23, %dot_general3A {dimension_numbers = #tpu.dot_dimension_numbers<[1], [0], [0], [1], [0, 0, 1, 1], [], []>, transpose_lhs_hint = false} : vector<10240x16xf32>, vector<16x48xf32>, vector<10240x48xf32> -> vector<10240x48xf32>
    %swap3A = arith.constant 0 : index
    %swap3A_25 = arith.constant 0 : index
    %swap3A_26 = vector.load %arg5[%swap3A, %swap3A_25] : memref<10240x48xf32, #tpu.memory_space<vmem>>, vector<10240x48xf32>
    tpu.vector_store %arg5[%swap3A, %swap3A_25], %dot_general3A_24 {strides = array<i32>} : memref<10240x48xf32, #tpu.memory_space<vmem>>, vector<10240x48xf32>,
    %mul3A_27 = vector.broadcast %get3A_1 : vector<10240x1xf32> to vector<10240x48xf32>
    %mul3A_28 = arith.mulf %dot_general3A_24, %mul3A_27 : vector<10240x48xf32>
    %swap3A_29 = arith.constant 0 : index
    %swap3A_30 = arith.constant 0 : index
    %swap3A_31 = vector.load %arg6[%swap3A_29, %swap3A_30] : memref<10240x48xf32, #tpu.memory_space<vmem>>, vector<10240x48xf32>
    tpu.vector_store %arg6[%swap3A_29, %swap3A_30], %mul3A_28 {strides = array<i32>} : memref<10240x48xf32, #tpu.memory_space<vmem>>, vector<10240x48xf32>,
    return
  }
}

module attributes {stable_mosaic.version = 14 : i64} {
  func.func @_tc3_body(%arg0: memref<20480x48xf32, #tpu.memory_space<vmem>>, %arg1: memref<10240x48xf32, #tpu.memory_space<vmem>>, %arg2: memref<10240x1xf32, #tpu.memory_space<vmem>>, %arg3: memref<1x48xf32, #tpu.memory_space<vmem>>, %arg4: memref<10240x48xf32, #tpu.memory_space<vmem>>) attributes {dimension_semantics = [], scalar_prefetch = 0 : i64, scratch_operands = 0 : i64, tpu.core_type = #tpu.core_type<tc>} {
    %get3A = arith.constant 0 : index
    %get3A_0 = arith.constant 0 : index
    %get3A_1 = vector.load %arg2[%get3A, %get3A_0] : memref<10240x1xf32, #tpu.memory_space<vmem>>, vector<10240x1xf32>
    %get3A_2 = arith.constant 0 : index
    %get3A_3 = arith.constant 0 : index
    %get3A_4 = vector.load %arg0[%get3A_2, %get3A_3] : memref<20480x48xf32, #tpu.memory_space<vmem>>, vector<10240x48xf32>
    %get3A_5 = arith.constant 10240 : index
    %get3A_6 = arith.constant 0 : index
    %get3A_7 = vector.load %arg0[%get3A_5, %get3A_6] : memref<20480x48xf32, #tpu.memory_space<vmem>>, vector<10240x48xf32>
    %add3A = arith.addf %get3A_4, %get3A_7 : vector<10240x48xf32>
    %mul3A = vector.broadcast %get3A_1 : vector<10240x1xf32> to vector<10240x48xf32>
    %mul3A_8 = arith.mulf %mul3A, %add3A : vector<10240x48xf32>
    %mul3A_9 = arith.mulf %get3A_1, %get3A_1 : vector<10240x1xf32>
    %get3A_10 = arith.constant 0 : index
    %get3A_11 = arith.constant 0 : index
    %get3A_12 = vector.load %arg1[%get3A_10, %get3A_11] : memref<10240x48xf32, #tpu.memory_space<vmem>>, vector<10240x48xf32>
    %mul3A_13 = vector.broadcast %mul3A_9 : vector<10240x1xf32> to vector<10240x48xf32>
    %mul3A_14 = arith.mulf %mul3A_13, %get3A_12 : vector<10240x48xf32>
    %add3A_15 = arith.addf %mul3A_8, %mul3A_14 : vector<10240x48xf32>
    %get3A_16 = arith.constant 0 : index
    %get3A_17 = arith.constant 0 : index
    %get3A_18 = vector.load %arg3[%get3A_16, %get3A_17] : memref<1x48xf32, #tpu.memory_space<vmem>>, vector<1x48xf32>
    %add3A_19 = vector.broadcast %get3A_18 : vector<1x48xf32> to vector<10240x48xf32>
    %add3A_20 = arith.addf %add3A_15, %add3A_19 : vector<10240x48xf32>
    %swap3A = arith.constant 0 : index
    %swap3A_21 = arith.constant 0 : index
    %swap3A_22 = vector.load %arg4[%swap3A, %swap3A_21] : memref<10240x48xf32, #tpu.memory_space<vmem>>, vector<10240x48xf32>
    tpu.vector_store %arg4[%swap3A, %swap3A_21], %add3A_20 {strides = array<i32>} : memref<10240x48xf32, #tpu.memory_space<vmem>>, vector<10240x48xf32>,
    return
  }
}

</mosaic_0001>

<sc_bundles>
// kernel: kernel.11.cloned.1.call-start
scs
__scs_entry_jumppad:
0x0: {  	(pc) =	sbr.rel $0x88, $3  }
0x1: {  	(tag) =	ssettag $0x0;
	lr =	simm.s32 $0x1  }
0x2: {  	[smem:$0x3F9A] =	sst lr;
	_ =	strace $0xD0000000  }
0x3: {  	_ = 	snop  }
0x4: {  	_ = 	snop  }
0x5: {  	_ = 	snop  }
0x6: {  	_ = 	snop  }
0x7: {  	_ = 	snop  }
__scs_overlays_trampoline_lowered:
0x8: {  	[smem:$0x3FA9] =	sst s0  }
0x9: {  	[smem:$0x3FAA] =	sst s1  }
0xa: {  	[smem:$0x3FAB] =	sst s2  }
0xb: {  	[smem:$0x3FAC] =	sst s3  }
0xc: {  	[smem:$0x3FAD] =	sst s4  }
0xd: {  	[smem:$0x3FAE] =	sst s5  }
0xe: {  	[smem:$0x3FAF] =	sst s6  }
0xf: {  	[smem:$0x3FB0] =	sst s7  }
0x10: {  	[smem:$0x3FB1] =	sst s8  }
0x11: {  	[smem:$0x3FB2] =	sst s9;
	s0 =	simm.s32 @!p0 $0x0  }
0x12: {  	s1 =	sld [smem:$0x3F98];
	s0 =	simm.s32 @p0 $0x1  }
0x13: {  	[smem:$0x3FB3] =	sst s0;
	s0 =	simm.s32 @!p1 $0x0  }
0x14: {  	s2 =	sld [smem:$0x3F97];
	s0 =	simm.s32 @p1 $0x1  }
0x15: {  	[smem:$0x3FB4] =	sst s0;
	s0 =	simm.s32 @!p2 $0x0  }
0x16: {  	s3 =	sld [smem:$0x3FDB];
	s0 =	simm.s32 @p2 $0x1  }
0x17: {  	s4 =	simm.s32 $0x1BF5;
	[smem:$0x3FB6] =	sst s0  }
0x18: {  	s0 =	sld [smem:$0x3F99];
	_ =	swait.ge [sflag:s4], $0x0  }
0x19: {  	s7 =	sld [smem:$0x3F9A]  }
0x1a: {  	s8 =	sadd.s32 $0xFFFFE003, lr  }
0x1b: {  	s9 =	sadd.s32 $0xFFFFFEF7, lr;
	s5 =	simm.s32 $0xFFFFFFFF;
	p2 =	slt.u32 s8, $0xFFFFF086  }
0x1c: {  	p1 =	slt.u32 s9, $0xF7A;
	s5 =	simm.s32 @!p2 $0x0  }
0x1d: {  	s5 =	simm.s32 @p1 $0x1;
	p0 =	seq.s32 s7, s2  }
0x1e: {  	s7 =	smul.u32 @!p0 $0xF7A, s2;
	p2 =	seq.s32 @!p0 s5, $0x0  }
0x1f: {  	s9 =	smul.u32 $0xF7A, s1;
	s8 =	simm.s32 @!p0 $0x1BF5;
	p2 =	por !p2, p0  }
0x20: {  	[sflag:s8] =	ssyncset.s32 @!p0 $0xFFFFF086;
	s6 =	sadd.s32 @!p0 s3, s7;
	s7 =	simm.s32 @!p0 $0x108  }
0x21: {  	s3 =	sadd.s32 s3, s9;
	s6 =	sadd.s32 @!p0 $0x88, s6;
	s7 =	simm.s32 @p2 $0x1082  }
0x22: {  	[simem:s7], [sflag:s8] =	dma.local @!p0 [hbm:s6], $0xF7A  }
0x23: {  	s9 =	sor.u32 $0xD0000000, s2;
	s6 =	simm.s32 $0x108;
	_ =	swait.ge @!p0 [sflag:s8], $0x0  }
0x24: {  	s3 =	sadd.s32 $0x88, s3;
	s6 =	simm.s32 @!p1 $0x1082;
	[sflag:s4] =	ssyncset.s32 $0xFFFFF086  }
0x25: {  	[simem:s6], [sflag:s4] =	dma.local [hbm:s3], $0xF7A  }
0x26: {  	[smem:$0x3F9A] =	sst s1;
	(tag) =	ssettag s2;
	_ =	strace s9  }
0x27: {  	s1 =	sld [smem:$0x3FAA]  }
0x28: {  	s2 =	sld [smem:$0x3FAB]  }
0x29: {  	s4 =	sld [smem:$0x3FAD]  }
0x2a: {  	p0 =	seq.s32 s5, $0x0;
	s5 =	sld [smem:$0x3FAE]  }
0x2b: {  	s6 =	sld [smem:$0x3FAF]  }
0x2c: {  	s7 =	sld [smem:$0x3FB0]  }
0x2d: {  	s3 =	simm.s32 $0x108;
	s8 =	sld [smem:$0x3FB1]  }
0x2e: {  	s3 =	simm.s32 @!p0 $0x1082;
	s9 =	sld [smem:$0x3FB2]  }
0x2f: {  	lr =	sadd.s32 s0, s3;
	s0 =	sld [smem:$0x3FA9]  }
0x30: {  	s3 =	sld [smem:$0x3FAC]  }
0x31: {  	[smem:$0x3FB5] =	sst s10  }
0x32: {  	s10 =	sld [smem:$0x3FB3];
	_ =	sdelay $0x3  }
0x33: {  	p0 =	seq.s32 s10, $0x1;
	s10 =	sld [smem:$0x3FB5];
	_ =	sdelay $0x3  }
0x34: {  	[smem:$0x3FB5] =	sst s10  }
0x35: {  	s10 =	sld [smem:$0x3FB4];
	_ =	sdelay $0x3  }
0x36: {  	p1 =	seq.s32 s10, $0x1;
	s10 =	sld [smem:$0x3FB5];
	_ =	sdelay $0x3  }
0x37: {  	[smem:$0x3FB5] =	sst s10  }
0x38: {  	s10 =	sld [smem:$0x3FB6]  }
0x39: {  	_ = 	snop;
	(pc) =	sbr.ind lr, $3  }
0x3a: {  	_ = 	snop  }
0x3b: {  	_ = 	snop  }
0x3c: {  	p2 =	seq.s32 s10, $0x1;
	s10 =	sld [smem:$0x3FB5]  }
0x3d: {  	_ =	shalt  }
0x3e: {  	_ =	shalt  }
0x3f: {  	_ =	shalt  }
0x40: {  	_ =	shalt  }
0x41: {  	_ =	shalt  }
0x42: {  	_ =	shalt  }
0x43: {  	_ =	shalt  }
0x44: {  	_ =	shalt  }
0x45: {  	_ =	shalt  }
0x46: {  	_ =	shalt  }
0x47: {  	_ =	shalt  }
0x48: {  	_ =	shalt  }
0x49: {  	_ =	shalt  }
0x4a: {  	_ =	shalt  }
0x4b: {  	_ =	shalt  }
0x4c: {  	_ =	shalt  }
0x4d: {  	_ =	shalt  }
0x4e: {  	_ =	shalt  }
0x4f: {  	_ =	shalt  }
0x50: {  	_ =	shalt  }
0x51: {  	_ =	shalt  }
0x52: {  	_ =	shalt  }
0x53: {  	_ =	shalt  }
0x54: {  	_ =	shalt  }
0x55: {  	_ =	shalt  }
0x56: {  	_ =	shalt  }
0x57: {  	_ =	shalt  }
0x58: {  	_ =	shalt  }
0x59: {  	_ =	shalt  }
0x5a: {  	_ =	shalt  }
0x5b: {  	_ =	shalt  }
0x5c: {  	_ =	shalt  }
0x5d: {  	_ =	shalt  }
0x5e: {  	_ =	shalt  }
0x5f: {  	_ =	shalt  }
0x60: {  	_ =	shalt  }
0x61: {  	_ =	shalt  }
0x62: {  	_ =	shalt  }
0x63: {  	_ =	shalt  }
0x64: {  	_ =	shalt  }
0x65: {  	_ =	shalt  }
0x66: {  	_ =	shalt  }
0x67: {  	_ =	shalt  }
0x68: {  	_ =	shalt  }
0x69: {  	_ =	shalt  }
0x6a: {  	_ =	shalt  }
0x6b: {  	_ =	shalt  }
0x6c: {  	_ =	shalt  }
0x6d: {  	_ =	shalt  }
0x6e: {  	_ =	shalt  }
0x6f: {  	_ =	shalt  }
0x70: {  	_ =	shalt  }
0x71: {  	_ =	shalt  }
0x72: {  	_ =	shalt  }
0x73: {  	_ =	shalt  }
0x74: {  	_ =	shalt  }
0x75: {  	_ =	shalt  }
0x76: {  	_ =	shalt  }
0x77: {  	_ =	shalt  }
0x78: {  	_ =	shalt  }
0x79: {  	_ =	shalt  }
0x7a: {  	_ =	shalt  }
0x7b: {  	_ =	shalt  }
0x7c: {  	_ =	shalt  }
0x7d: {  	_ =	shalt  }
0x7e: {  	_ =	shalt  }
0x7f: {  	_ =	shalt  }
0x80: {  	_ =	shalt  }
0x81: {  	_ =	shalt  }
0x82: {  	_ =	shalt  }
0x83: {  	_ =	shalt  }
0x84: {  	_ =	shalt  }
0x85: {  	_ =	shalt  }
0x86: {  	_ =	shalt  }
0x87: {  	_ =	shalt  }
.Lfunc_end0:
.L_simem_size_0:
called_computation.1_lowered:
.L_overlay_start_0:
0x88: {  	s2 =	sld [smem:$0x3FD9]  }
0x89: {  	s3 =	sld [smem:$0x3FFE];
	_ =	sdelay $0x1  }
0x8a: {  	s1 =	srdreg.scid  }
0x8b: {  	s0 =	sand.u32 $0x1, s1  }
0x8c: {  	s17 =	sshll.u32 s0, $0xA;
	s2 =	sadd.s32 s3, s2  }
0x8d: {  	s2 =	sadd.s32 s2, s17  }
0x8e: {  	[smem:$0x3FC1] =	sst s2  }
0x8f: {  	_ = 	snop  }
0x90: {  	s2 =	sld [smem:$0x3FD0];
	(tm) =	ssettm $0x1  }
0x91: {  	s18 =	sld [smem:$0x3FFB];
	_ =	sdelay $0x3  }
0x92: {  	_ =	strace s18  }
0x93: {  	s3 =	sld [smem:$0x3FFC];
	_ =	sdelay $0x3  }
0x94: {  	_ =	strace s3  }
0x95: {  	s3 =	sld [smem:$0x3FFD];
	_ =	sdelay $0x3  }
0x96: {  	_ =	strace s3  }
0x97: {  	_ =	strace $0x8FFFFFFF  }
0x98: {  	s19 =	sld [smem:$0x3FDB];
	_ =	sdelay $0x1  }
0x99: {  	s4 =	simm.s32 $_scs_section_size  }
0x9a: {  	s5 =	simm.s32 $_size__tile_overlayer_lowered;
	s6 =	simm.s32 $_tile_overlayer_lowered  }
0x9b: {  	s22 =	simm.s32 $0x1BFF;
	s21 =	sshll.u32 s6, $0x1;
	s3 =	sadd.s32 s4, s19  }
0x9c: {  	s7 =	simm.s32 $0x0;
	s20 =	sshll.u32 s5, $0x1;
	s5 =	sadd.s32 s21, s3  }
0x9d: {  	[timem:s7], [sflag:s22] =	dma.local [hbm:s5], s20  }
0x9e: {  	_ =	swait.ge [sflag:s22], s20  }
0x9f: {  	s4 =	ssub.s32 $0x0, s20;
	[sflag:s22] =	ssyncset.done $0x0  }
0xa0: {  	[sflag:s22] =	ssyncadd.s32 s4;
	_ =	sdelay $0x1  }
0xa1: {  	s23 =	simm.s32 $0x1B8B  }
0xa2: {  	_ =	swait.ge [sflag:s23], $0x1  }
0xa3: {  	[sflag:s23] =	ssyncset.done $0x0  }
0xa4: {  	s25 =	simm.s32 $0x1B8E;
	s24 =	sld [smem:$0x3FFE];
	[sflag:s23] =	ssyncadd.s32 $0xFFFFFFFF  }
0xa5: {  	s26 =	simm.s32 $execute0_lowered;
	[smem:$0x3FD2] =	sst s25  }
0xa6: {  	s5 =	sshll.u32 s26, $0x1;
	_ =	strace $0x80000049;
	[dreg:$0x1] =	wrdreg $0xFFFFFFFF  }
0xa7: {  	s28 =	simm.s32 $_size_execute0_lowered;
	s3 =	sadd.s32 s3, s5;
	[dreg:$0x0] =	wrdreg $0x0  }
0xa8: {  	s5 =	sshll.u32 s28, $0x1;
	[dreg:$0x2] =	wrdreg s3  }
0xa9: {  	[dreg:$0x3] =	wrdreg s5  }
0xaa: {  	[dreg:$0x4] =	wrdreg $0xC0  }
0xab: {  	_ =	task [dreg:s7], $0x5FFFF  }
0xac: {  	[dreg:$0x1] =	wrdreg $0xFFFFFFFF  }
0xad: {  	[dreg:$0x0] =	wrdreg $0x60  }
0xae: {  	[dreg:$0x2] =	wrdreg s24  }
0xaf: {  	[dreg:$0x3] =	wrdreg s2  }
0xb0: {  	[dreg:$0x4] =	wrdreg $0x0  }
0xb1: {  	[dreg:$0x5] =	wrdreg $0x28000  }
0xb2: {  	[dreg:$0x6] =	wrdreg $0x9  }
0xb3: {  	_ =	task.clear_ibuf [dreg:s7], $0x7FFFF;
	_ =	strace $0x90000049  }
0xb4: {  	s29 =	simm.s32 $0x9;
	_ =	strace $0x8000004B  }
0xb5: {  	_ =	swait.ge [sflag:s29], $0x1  }
0xb6: {  	[sflag:s29] =	ssyncadd.s32 $0xFFFFFFFF  }
0xb7: {  	_ =	strace $0x9000004B  }
0xb8: {  	_ =	sfence  }
0xb9: {  	s30 =	sld [smem:$0x0];
	_ =	sdelay $0x2  }
0xba: {  	s31 =	sshll.u32 s1, $0xD;
	s1 =	sshrl.u32 s1, $0x2  }
0xbb: {  	s3 =	sand.u32 $0x4000, s31;
	s1 =	sadd.s32 s1, s30  }
0xbc: {  	s0 =	sor.u32 s3, s0;
	s1 =	sshll.u32 s1, $0x11  }
0xbd: {  	s0 =	sor.u32 s1, s0  }
0xbe: {  	s0 =	sadd.s32 $0x8F2B, s0  }
0xbf: {  	[sflag:s0] =	ssyncadd.remote.s32 $0x1  }
0xc0: {  	_ =	sfence.sel $0xFFFF  }
0xc1: {  	[dreg:$0x0] =	wrdreg $0xFFFFFFFF;
	(pc) =	sbr.abs _section_cstart, $3  }
0xc2: {  	[dreg:$0x1] =	wrdreg $0xFFFFFFFF  }
0xc3: {  	_ =	task.clear_ibuf [dreg:s7], $0x2FFFF;
	_ =	strace $0x9FFFFFFF  }
0xc4: {  	(tm) =	ssettm $0x7FFFFFFF  }
0xc5: {  	_ =	shalt  }
tec
execute0_lowered:
.L_overlay_start_1:
0x0: {  	(tag) =	ssettag $0x1  }
0x1: {  	s8 =	rddreg [dreg:$0x0]  }
0x2: {  	s2 =	rddreg [dreg:$0x1]  }
0x3: {  	s3 =	rddreg [dreg:$0x2]  }
0x4: {  	s4 =	rddreg [dreg:$0x3]  }
0x5: {  	s1 =	stileid.u32;
	s5 =	simm.s32 $0x0;
	s6 =	srdreg.scid  }
0x6: {  	s20 =	simm.s32 $0x5180;
	s21 =	simm.s32 $0x5000;
	s22 =	simm.s32 $0x5080  }
0x7: {  	s23 =	simm.s32 $0x5100;
	s24 =	simm.s32 $0x80;
	s7 =	smul.u32 $0x2800, s1  }
0x8: {  	s25 =	simm.s32 $0x1;
	[smem:$0x7FF] =	sst s5;
	s12 =	smul.u32 $0x14000, s1  }
0x9: {  	s14 =	sand.u32 $0x1, s6;
	s6 =	sadd.s32 $0xBE00, s8;
	s15 =	smul.u32 $0x50000, s1  }
0xa: {  	s30 =	sshll.u32 s1, $0x6;
	s19 =	sshll.u32 s1, $0x1;
	_ =	strace $0x8000004A  }
0xb: {  	s10 =	smul.u32 $0x28000, s14;
	s11 =	ssub.s32 $0x2, s14;
	s19 =	sor.u32 s14, s19  }
0xc: {  	s9 =	sadd.s32 s7, s8;
	s13 =	sshrl.u32 s11, $0x1;
	s18 =	sadd.s32 s12, s4  }
0xd: {  	s31 =	sshrl.u32 s15, $0x2;
	s10 =	sadd.s32 s7, s10;
	s7 =	sadd.s32 $0x2000, s8  }
0xe: {  	s17 =	ssub.s32 s11, s13;
	s15 =	sadd.s32 s31, s3;
	s18 =	sshrl.u32 s18, $0x3  }
0xf: {  	s16 =	sadd.s32 s10, s8;
	s8 =	sadd.s32 $0x15C00, s9;
	s9 =	sor.u32 $0x1C02, s30  }
0x10: {  	s10 =	sadd.s32 s12, s3;
	s11 =	sadd.s32 $0x4000, s15;
	s12 =	sadd.s32 $0x8000, s15  }
0x11: {  	s13 =	sadd.s32 $0xC000, s15;
	s14 =	sadd.s32 $0x10000, s15;
	s15 =	smul.u32 $0x4F, s19  }
0x12: {  	v0 =	vimm.f32 $0.0e+00;
	s17 =	smax.u32 s17, $0x1;
	s19 =	simm.s32 $0x2;
	s16 =	sadd.s32 $0x3DC00, s16  }
.LBB2_1:
0x13: {  	[spmem:s18], [sflag:s9] =	dma.local [hbm:s8], $0x2800  }
0x14: {  	_ =	swait.ge [sflag:s19], $0x2800  }
0x15: {  	[sflag:s19] =	ssyncset.done $0x0  }
0x16: {  	s26 =	simm.s32 $0x200;
	s28 =	simm.s32 $0x0;
	[sflag:s19] =	ssyncadd.s32 $0xFFFFD800  }
.LBB2_2:
0x17: {  	p0 =	sne.s32 s26, $0xFE00;
	[tilespmem:s28+$0x5180] =	vst v0;
	s28 =	smov.u32 s26;
	s26 =	sadd.s32 $0x200, s26  }
.Ltmp0:
0x18: {  	(pc) =	sbr.rel @p0 .LBB2_2-.Ltmp0, $2  }
0x19: {  	_ =	sdelay $0x2  }
0x1a: {  	s28 =	sshra.s32 s28, $0x2  }
0x1b: {  	[tilespmem:s28+$0x5180] =	vst v0  }
0x1c: {  	[spmem:s10] =	stream.linear.scatter [tilespmem:s20], [sflag:$0x2], $0x4000, $0x38;
	[tilespmem:$0x9180] =	vst v63  }
0x1d: {  	_ =	swait.ge [sflag:s19], $0x4000  }
0x1e: {  	[sflag:s19] =	ssyncset.done $0x0  }
0x1f: {  	[sflag:s19] =	ssyncadd.s32 $0xFFFFC000  }
0x20: {  	[spmem:s11] =	stream.linear.scatter [tilespmem:s20], [sflag:$0x2], $0x4000, $0x38;
	[tilespmem:$0x9180] =	vst v63  }
0x21: {  	_ =	swait.ge [sflag:s19], $0x4000  }
0x22: {  	[sflag:s19] =	ssyncset.done $0x0  }
0x23: {  	[sflag:s19] =	ssyncadd.s32 $0xFFFFC000  }
0x24: {  	[spmem:s12] =	stream.linear.scatter [tilespmem:s20], [sflag:$0x2], $0x4000, $0x38;
	[tilespmem:$0x9180] =	vst v63  }
0x25: {  	_ =	swait.ge [sflag:s19], $0x4000  }
0x26: {  	[sflag:s19] =	ssyncset.done $0x0  }
0x27: {  	[sflag:s19] =	ssyncadd.s32 $0xFFFFC000  }
0x28: {  	[spmem:s13] =	stream.linear.scatter [tilespmem:s20], [sflag:$0x2], $0x4000, $0x38;
	[tilespmem:$0x9180] =	vst v63  }
0x29: {  	_ =	swait.ge [sflag:s19], $0x4000  }
0x2a: {  	[sflag:s19] =	ssyncset.done $0x0  }
0x2b: {  	[sflag:s19] =	ssyncadd.s32 $0xFFFFC000  }
0x2c: {  	[spmem:s14] =	stream.linear.scatter [tilespmem:s20], [sflag:$0x2], $0x4000, $0x38;
	[tilespmem:$0x9180] =	vst v63  }
0x2d: {  	_ =	swait.ge [sflag:s19], $0x4000  }
0x2e: {  	[sflag:s19] =	ssyncset.done $0x0  }
0x2f: {  	[sflag:s19] =	ssyncadd.s32 $0xFFFFC000  }
0x30: {  	s26 =	simm.s32 $0x0;
	s28 =	simm.s32 $0x0;
	[bflag:$0x0] =	sbarrier.arrive $0xFFFF  }
.LBB2_4:
0x31: {  	s29 =	sadd.s32 s15, s28  }
0x32: {  	s29 =	sshll.u32 s29, $0x4  }
0x33: {  	s30 =	sadd.s32 s2, s29  }
0x34: {  	[tilespmem:s21], [sflag:$0x2] =	stream.linear.gather [hbm4b:s30+s26], $0x80, $0x38;
	[tilespmem:$0x9180] =	vst v63  }
0x35: {  	_ =	swait.ge [sflag:s19], $0x80  }
0x36: {  	[sflag:s19] =	ssyncset.done $0x0  }
0x37: {  	s30 =	sadd.s32 s6, s29;
	[sflag:s19] =	ssyncadd.s32 $0xFFFFFF80  }
0x38: {  	[tilespmem:s22], [sflag:$0x2] =	stream.linear.gather [hbm4b:s30+s26], $0x80, $0x38;
	[tilespmem:$0x9180] =	vst v63  }
0x39: {  	_ =	swait.ge [sflag:s19], $0x80  }
0x3a: {  	[sflag:s19] =	ssyncset.done $0x0  }
0x3b: {  	s29 =	sadd.s32 s7, s29;
	[sflag:s19] =	ssyncadd.s32 $0xFFFFFF80  }
0x3c: {  	v1 =	vmov s26;
	[tilespmem:s23], [sflag:$0x2] =	stream.linear.gather [hbm4b:s29+s26], $0x80, $0x38;
	[tilespmem:$0x9180] =	vst v63  }
0x3d: {  	v1 =	vand.u32 $0xFFFFFFFC, v1;
	_ =	swait.ge [sflag:s19], $0x80  }
0x3e: {  	v1 =	vbroadcast v1, $0x0;
	[sflag:s19] =	ssyncset.done $0x0  }
0x3f: {  	[sflag:s19] =	ssyncadd.s32 $0xFFFFFF80  }
0x40: {  	[tilespmem:s20], [sflag:$0x1] =	stream.indirect.gather [spmem:s4], $0x10, s21, s24, $0xb8;
	[tilespmem:$0x9180] =	vst v63  }
0x41: {  	_ =	swait.ge [sflag:s25], $0x800  }
0x42: {  	[sflag:s25] =	ssyncset.done $0x0  }
0x43: {  	[sflag:s25] =	ssyncadd.s32 $0xFFFFF800  }
0x44: {  	s30 =	simm.s32 $0x1;
	s29 =	simm.s32 $0x5280;
	v1 =	vld.idx.msk [tilespmem:v1+s23+$0x0], $0xffff  }
0x45: {  	v3 =	vmov s30;
	v2 =	vld [tilespmem:s29+$0xFFFFFF00]  }
0x46: {  	v3 =	vand.u32 $0xFFFFFFFD, v3  }
0x47: {  	v3 =	vbroadcast v3, $0x0;
	_ =	sdelay $0x2  }
0x48: {  	v1 =	vmul.f32 v2, v1;
	_ =	sdelay $0x1  }
0x49: {  	s30 =	simm.s32 $0x2;
	v2 =	vld [tilespmem:s29+$0xFFFFFF80];
	[tilespmem:s29+$0xFFFFFF00] =	vst v1  }
0x4a: {  	v1 =	vld.idx.msk [tilespmem:v3+s23+$0x0], $0xffff;
	v3 =	vmov s30  }
0x4b: {  	v3 =	vand.u32 $0xFFFFFFFE, v3  }
0x4c: {  	v3 =	vbroadcast v3, $0x0;
	_ =	sdelay $0x2  }
0x4d: {  	v1 =	vmul.f32 v2, v1;
	_ =	sdelay $0x1  }
0x4e: {  	v2 =	vld [tilespmem:s29+$0x0];
	[tilespmem:s29+$0xFFFFFF80] =	vst v1  }
0x4f: {  	v1 =	vld.idx.msk [tilespmem:v3+s23+$0x0], $0xffff;
	_ =	sdelay $0x1  }
0x50: {  	s30 =	simm.s32 $0x3  }
0x51: {  	v3 =	vmov s30;
	_ =	sdelay $0x1  }
0x52: {  	v1 =	vmul.f32 v2, v1;
	_ =	sdelay $0x1  }
0x53: {  	s30 =	simm.s32 $0x4;
	v2 =	vld [tilespmem:s29+$0x80];
	[tilespmem:s29+$0x0] =	vst v1  }
0x54: {  	s31 =	simm.s32 $0x8;
	v1 =	vld.idx.msk [tilespmem:v3+s23+$0x0], $0xffff;
	v3 =	vmov s30  }
.LBB2_5:
0x55: {  	p0 =	slt.u32 s31, $0x7C;
	v3 =	vand.u32 $0xFFFFFFFC, v3  }
0x56: {  	v3 =	vbroadcast v3, $0x0;
	_ =	sdelay $0x2  }
0x57: {  	v1 =	vmul.f32 v2, v1;
	_ =	sdelay $0x1  }
0x58: {  	[tilespmem:s29+$0x80] =	vst v1  }
0x59: {  	s0 =	sadd.s32 $0x1, s30;
	s29 =	sadd.s32 $0x200, s29;
	v1 =	vld.idx.msk [tilespmem:v3+s23+$0x0], $0xffff  }
0x5a: {  	v3 =	vmov s0;
	v2 =	vld [tilespmem:s29+$0xFFFFFF00]  }
0x5b: {  	v3 =	vand.u32 $0xFFFFFFFD, v3  }
0x5c: {  	v3 =	vbroadcast v3, $0x0;
	_ =	sdelay $0x2  }
0x5d: {  	v1 =	vmul.f32 v2, v1;
	_ =	sdelay $0x1  }
0x5e: {  	[tilespmem:s29+$0xFFFFFF00] =	vst v1  }
0x5f: {  	s0 =	sadd.s32 $0x2, s30;
	v1 =	vld.idx.msk [tilespmem:v3+s23+$0x0], $0xffff  }
0x60: {  	v3 =	vmov s0;
	v2 =	vld [tilespmem:s29+$0xFFFFFF80]  }
0x61: {  	v3 =	vand.u32 $0xFFFFFFFE, v3  }
0x62: {  	v3 =	vbroadcast v3, $0x0;
	_ =	sdelay $0x2  }
0x63: {  	v1 =	vmul.f32 v2, v1;
	_ =	sdelay $0x1  }
0x64: {  	[tilespmem:s29+$0xFFFFFF80] =	vst v1  }
0x65: {  	v1 =	vld.idx.msk [tilespmem:v3+s23+$0x0], $0xffff  }
0x66: {  	v2 =	vld [tilespmem:s29+$0x0];
	_ =	sdelay $0x1  }
0x67: {  	s0 =	sadd.s32 $0x3, s30;
	s30 =	smov.u32 s31  }
0x68: {  	v3 =	vmov s0;
	_ =	sdelay $0x1  }
.Ltmp1:
0x69: {  	v1 =	vmul.f32 v2, v1;
	(pc) =	sbr.rel @p0 .LBB2_5-.Ltmp1, $4  }
0x6a: {  	_ = 	snop  }
0x6b: {  	[tilespmem:s29+$0x0] =	vst v1  }
0x6c: {  	v1 =	vld.idx.msk [tilespmem:v3+s23+$0x0], $0xffff  }
0x6d: {  	s31 =	sadd.s32 $0x4, s31;
	v3 =	vmov s30;
	v2 =	vld [tilespmem:s29+$0x80]  }
0x6e: {  	v3 =	vand.u32 $0xFFFFFFFC, v3  }
0x6f: {  	v3 =	vbroadcast v3, $0x0;
	_ =	sdelay $0x2  }
0x70: {  	v1 =	vmul.f32 v2, v1;
	_ =	sdelay $0x1  }
0x71: {  	[tilespmem:s29+$0x80] =	vst v1  }
0x72: {  	s0 =	sadd.s32 $0x1, s30;
	s29 =	sadd.s32 $0x200, s29;
	v1 =	vld.idx.msk [tilespmem:v3+s23+$0x0], $0xffff  }
0x73: {  	v2 =	vld [tilespmem:s29+$0xFFFFFF00];
	v3 =	vmov s0  }
0x74: {  	v3 =	vand.u32 $0xFFFFFFFD, v3  }
0x75: {  	v3 =	vbroadcast v3, $0x0;
	_ =	sdelay $0x2  }
0x76: {  	v1 =	vmul.f32 v2, v1;
	_ =	sdelay $0x1  }
0x77: {  	s31 =	sadd.s32 $0x2, s30;
	v2 =	vld [tilespmem:s29+$0xFFFFFF80];
	[tilespmem:s29+$0xFFFFFF00] =	vst v1  }
0x78: {  	v1 =	vld.idx.msk [tilespmem:v3+s23+$0x0], $0xffff;
	v3 =	vmov s31  }
0x79: {  	v3 =	vand.u32 $0xFFFFFFFE, v3  }
0x7a: {  	v3 =	vbroadcast v3, $0x0;
	_ =	sdelay $0x2  }
0x7b: {  	v1 =	vmul.f32 v2, v1;
	_ =	sdelay $0x1  }
0x7c: {  	v2 =	vld [tilespmem:s29+$0x0];
	[tilespmem:s29+$0xFFFFFF80] =	vst v1  }
0x7d: {  	v1 =	vld.idx.msk [tilespmem:v3+s23+$0x0], $0xffff;
	_ =	sdelay $0x1  }
0x7e: {  	s31 =	sadd.s32 $0x3, s30  }
0x7f: {  	v3 =	vmov s31;
	_ =	sdelay $0x1  }
0x80: {  	v1 =	vmul.f32 v2, v1;
	_ =	sdelay $0x1  }
0x81: {  	v2 =	vld [tilespmem:s29+$0x80];
	[tilespmem:s29+$0x0] =	vst v1  }
0x82: {  	v1 =	vld.idx.msk [tilespmem:v3+s23+$0x0], $0xffff;
	_ =	sdelay $0x4  }
0x83: {  	s28 =	sadd.s32 $0x1, s28;
	v1 =	vmul.f32 v2, v1  }
0x84: {  	p0 =	sne.s32 s28, $0x4F  }
.Ltmp2:
0x85: {  	[tilespmem:s29+$0x80] =	vst v1;
	(pc) =	sbr.rel @p0 .LBB2_4-.Ltmp2, $4  }
0x86: {  	[spmem:s3] =	stream.indirect.scatter.add.f32 [tilespmem:s20], [sflag:$0x2], $0x10, s22, s24, $0xb8;
	[tilespmem:$0x9180] =	vst v63  }
0x87: {  	_ =	swait.ge [sflag:s19], $0x800  }
0x88: {  	[sflag:s19] =	ssyncset.done $0x0  }
0x89: {  	[sflag:s19] =	ssyncadd.s32 $0xFFFFF800  }
0x8a: {  	s5 =	sadd.s32 $0x1, s5  }
0x8b: {  	p0 =	sne.s32 s5, s17  }
.Ltmp3:
0x8c: {  	[bflag:$0x0] =	sbarrier.arrive $0xFFFF;
	s0 =	sshrl.u32 s10, $0x3;
	(pc) =	sbr.rel @p0 .LBB2_1-.Ltmp3, $4  }
0x8d: {  	[hbm:s16], [sflag:s9] =	dma.local [spmem:s0], $0x2800  }
0x8e: {  	_ =	swait.ge [sflag:s19], $0x2800  }
0x8f: {  	[sflag:s19] =	ssyncset.done $0x0  }
0x90: {  	[sflag:s19] =	ssyncadd.s32 $0xFFFFD800  }
0x91: {  	_ =	sfence.sel $0x180000  }
0x92: {  	[bflag:$0x0] =	sbarrier.arrive $0xFFFF  }
0x93: {  	_ =	strace $0x9000004A  }
0x94: {  	[bflag:$0x2] =	sbarrier.arrive $0xFFFF  }
0x95: {  	p0 =	sne.s32 s1, $0x0;
	s0 =	rddreg [dreg:$0x4]  }
0x96: {  	s0 =	sadd.s32 @!p0 $0x100000, s0  }
0x97: {  	[sflag:s0] =	ssyncadd.tile.s32 @!p0 $0x1;
	_ =	shalt  }
.Lfunc_end2:
_tile_overlayer_lowered:
.L_overlay_start_2:
0x98: {  	(tag) =	ssettag $0x2  }
0x99: {  	s0 =	rddreg [dreg:$0x0];
	s2 =	stileid.u32  }
0x9a: {  	s1 =	rddreg [dreg:$0x1];
	p0 =	sne.s32 s2, $0x0  }
0x9b: {  	s3 =	rddreg [dreg:$0x2];
	[bflag:$0x3] =	sbarrier.arrive $0xFFFF;
	s2 =	simm.s32 @!p0 $0x1C02  }
0x9c: {  	[timem:s3], [sflag:s2] =	dma.local @!p0 [hbm:s0], s1  }
0x9d: {  	s0 =	simm.s32 @!p0 $0x2  }
0x9e: {  	_ =	swait.ge @!p0 [sflag:s0], s1  }
0x9f: {  	s1 =	ssub.s32 @!p0 $0x0, s1;
	[sflag:s0] =	ssyncset.done @!p0 $0x0  }
0xa0: {  	[sflag:s0] =	ssyncadd.s32 @!p0 s1  }
0xa1: {  	[bflag:$0x3] =	sbarrier.arrive $0xFFFF  }
0xa2: {  	_ =	shalt  }

// kernel: kernel.14.cloned.1.call-start
scs
__scs_entry_jumppad:
0x0: {  	(pc) =	sbr.rel $0x88, $3  }
0x1: {  	(tag) =	ssettag $0x0;
	lr =	simm.s32 $0x1  }
0x2: {  	[smem:$0x3F9A] =	sst lr;
	_ =	strace $0xD0000000  }
0x3: {  	_ = 	snop  }
0x4: {  	_ = 	snop  }
0x5: {  	_ = 	snop  }
0x6: {  	_ = 	snop  }
0x7: {  	_ = 	snop  }
__scs_overlays_trampoline_lowered:
0x8: {  	[smem:$0x3FA9] =	sst s0  }
0x9: {  	[smem:$0x3FAA] =	sst s1  }
0xa: {  	[smem:$0x3FAB] =	sst s2  }
0xb: {  	[smem:$0x3FAC] =	sst s3  }
0xc: {  	[smem:$0x3FAD] =	sst s4  }
0xd: {  	[smem:$0x3FAE] =	sst s5  }
0xe: {  	[smem:$0x3FAF] =	sst s6  }
0xf: {  	[smem:$0x3FB0] =	sst s7  }
0x10: {  	[smem:$0x3FB1] =	sst s8  }
0x11: {  	[smem:$0x3FB2] =	sst s9;
	s0 =	simm.s32 @!p0 $0x0  }
0x12: {  	s1 =	sld [smem:$0x3F98];
	s0 =	simm.s32 @p0 $0x1  }
0x13: {  	[smem:$0x3FB3] =	sst s0;
	s0 =	simm.s32 @!p1 $0x0  }
0x14: {  	s2 =	sld [smem:$0x3F97];
	s0 =	simm.s32 @p1 $0x1  }
0x15: {  	[smem:$0x3FB4] =	sst s0;
	s0 =	simm.s32 @!p2 $0x0  }
0x16: {  	s3 =	sld [smem:$0x3FDB];
	s0 =	simm.s32 @p2 $0x1  }
0x17: {  	s4 =	simm.s32 $0x1BF5;
	[smem:$0x3FB6] =	sst s0  }
0x18: {  	s0 =	sld [smem:$0x3F99];
	_ =	swait.ge [sflag:s4], $0x0  }
0x19: {  	s7 =	sld [smem:$0x3F9A]  }
0x1a: {  	s8 =	sadd.s32 $0xFFFFE003, lr  }
0x1b: {  	s9 =	sadd.s32 $0xFFFFFEF7, lr;
	s5 =	simm.s32 $0xFFFFFFFF;
	p2 =	slt.u32 s8, $0xFFFFF086  }
0x1c: {  	p1 =	slt.u32 s9, $0xF7A;
	s5 =	simm.s32 @!p2 $0x0  }
0x1d: {  	s5 =	simm.s32 @p1 $0x1;
	p0 =	seq.s32 s7, s2  }
0x1e: {  	s7 =	smul.u32 @!p0 $0xF7A, s2;
	p2 =	seq.s32 @!p0 s5, $0x0  }
0x1f: {  	s9 =	smul.u32 $0xF7A, s1;
	s8 =	simm.s32 @!p0 $0x1BF5;
	p2 =	por !p2, p0  }
0x20: {  	[sflag:s8] =	ssyncset.s32 @!p0 $0xFFFFF086;
	s6 =	sadd.s32 @!p0 s3, s7;
	s7 =	simm.s32 @!p0 $0x108  }
0x21: {  	s3 =	sadd.s32 s3, s9;
	s6 =	sadd.s32 @!p0 $0x88, s6;
	s7 =	simm.s32 @p2 $0x1082  }
0x22: {  	[simem:s7], [sflag:s8] =	dma.local @!p0 [hbm:s6], $0xF7A  }
0x23: {  	s9 =	sor.u32 $0xD0000000, s2;
	s6 =	simm.s32 $0x108;
	_ =	swait.ge @!p0 [sflag:s8], $0x0  }
0x24: {  	s3 =	sadd.s32 $0x88, s3;
	s6 =	simm.s32 @!p1 $0x1082;
	[sflag:s4] =	ssyncset.s32 $0xFFFFF086  }
0x25: {  	[simem:s6], [sflag:s4] =	dma.local [hbm:s3], $0xF7A  }
0x26: {  	[smem:$0x3F9A] =	sst s1;
	(tag) =	ssettag s2;
	_ =	strace s9  }
0x27: {  	s1 =	sld [smem:$0x3FAA]  }
0x28: {  	s2 =	sld [smem:$0x3FAB]  }
0x29: {  	s4 =	sld [smem:$0x3FAD]  }
0x2a: {  	p0 =	seq.s32 s5, $0x0;
	s5 =	sld [smem:$0x3FAE]  }
0x2b: {  	s6 =	sld [smem:$0x3FAF]  }
0x2c: {  	s7 =	sld [smem:$0x3FB0]  }
0x2d: {  	s3 =	simm.s32 $0x108;
	s8 =	sld [smem:$0x3FB1]  }
0x2e: {  	s3 =	simm.s32 @!p0 $0x1082;
	s9 =	sld [smem:$0x3FB2]  }
0x2f: {  	lr =	sadd.s32 s0, s3;
	s0 =	sld [smem:$0x3FA9]  }
0x30: {  	s3 =	sld [smem:$0x3FAC]  }
0x31: {  	[smem:$0x3FB5] =	sst s10  }
0x32: {  	s10 =	sld [smem:$0x3FB3];
	_ =	sdelay $0x3  }
0x33: {  	p0 =	seq.s32 s10, $0x1;
	s10 =	sld [smem:$0x3FB5];
	_ =	sdelay $0x3  }
0x34: {  	[smem:$0x3FB5] =	sst s10  }
0x35: {  	s10 =	sld [smem:$0x3FB4];
	_ =	sdelay $0x3  }
0x36: {  	p1 =	seq.s32 s10, $0x1;
	s10 =	sld [smem:$0x3FB5];
	_ =	sdelay $0x3  }
0x37: {  	[smem:$0x3FB5] =	sst s10  }
0x38: {  	s10 =	sld [smem:$0x3FB6]  }
0x39: {  	_ = 	snop;
	(pc) =	sbr.ind lr, $3  }
0x3a: {  	_ = 	snop  }
0x3b: {  	_ = 	snop  }
0x3c: {  	p2 =	seq.s32 s10, $0x1;
	s10 =	sld [smem:$0x3FB5]  }
0x3d: {  	_ =	shalt  }
0x3e: {  	_ =	shalt  }
0x3f: {  	_ =	shalt  }
0x40: {  	_ =	shalt  }
0x41: {  	_ =	shalt  }
0x42: {  	_ =	shalt  }
0x43: {  	_ =	shalt  }
0x44: {  	_ =	shalt  }
0x45: {  	_ =	shalt  }
0x46: {  	_ =	shalt  }
0x47: {  	_ =	shalt  }
0x48: {  	_ =	shalt  }
0x49: {  	_ =	shalt  }
0x4a: {  	_ =	shalt  }
0x4b: {  	_ =	shalt  }
0x4c: {  	_ =	shalt  }
0x4d: {  	_ =	shalt  }
0x4e: {  	_ =	shalt  }
0x4f: {  	_ =	shalt  }
0x50: {  	_ =	shalt  }
0x51: {  	_ =	shalt  }
0x52: {  	_ =	shalt  }
0x53: {  	_ =	shalt  }
0x54: {  	_ =	shalt  }
0x55: {  	_ =	shalt  }
0x56: {  	_ =	shalt  }
0x57: {  	_ =	shalt  }
0x58: {  	_ =	shalt  }
0x59: {  	_ =	shalt  }
0x5a: {  	_ =	shalt  }
0x5b: {  	_ =	shalt  }
0x5c: {  	_ =	shalt  }
0x5d: {  	_ =	shalt  }
0x5e: {  	_ =	shalt  }
0x5f: {  	_ =	shalt  }
0x60: {  	_ =	shalt  }
0x61: {  	_ =	shalt  }
0x62: {  	_ =	shalt  }
0x63: {  	_ =	shalt  }
0x64: {  	_ =	shalt  }
0x65: {  	_ =	shalt  }
0x66: {  	_ =	shalt  }
0x67: {  	_ =	shalt  }
0x68: {  	_ =	shalt  }
0x69: {  	_ =	shalt  }
0x6a: {  	_ =	shalt  }
0x6b: {  	_ =	shalt  }
0x6c: {  	_ =	shalt  }
0x6d: {  	_ =	shalt  }
0x6e: {  	_ =	shalt  }
0x6f: {  	_ =	shalt  }
0x70: {  	_ =	shalt  }
0x71: {  	_ =	shalt  }
0x72: {  	_ =	shalt  }
0x73: {  	_ =	shalt  }
0x74: {  	_ =	shalt  }
0x75: {  	_ =	shalt  }
0x76: {  	_ =	shalt  }
0x77: {  	_ =	shalt  }
0x78: {  	_ =	shalt  }
0x79: {  	_ =	shalt  }
0x7a: {  	_ =	shalt  }
0x7b: {  	_ =	shalt  }
0x7c: {  	_ =	shalt  }
0x7d: {  	_ =	shalt  }
0x7e: {  	_ =	shalt  }
0x7f: {  	_ =	shalt  }
0x80: {  	_ =	shalt  }
0x81: {  	_ =	shalt  }
0x82: {  	_ =	shalt  }
0x83: {  	_ =	shalt  }
0x84: {  	_ =	shalt  }
0x85: {  	_ =	shalt  }
0x86: {  	_ =	shalt  }
0x87: {  	_ =	shalt  }
.Lfunc_end0:
.L_simem_size_0:
called_computation.2_lowered:
.L_overlay_start_0:
0x88: {  	s2 =	sld [smem:$0x3FD9]  }
0x89: {  	s3 =	sld [smem:$0x3FFE];
	_ =	sdelay $0x1  }
0x8a: {  	s1 =	srdreg.scid  }
0x8b: {  	s0 =	sand.u32 $0x1, s1  }
0x8c: {  	s17 =	sshll.u32 s0, $0xA;
	s2 =	sadd.s32 s3, s2  }
0x8d: {  	s2 =	sadd.s32 s2, s17  }
0x8e: {  	[smem:$0x3FC1] =	sst s2  }
0x8f: {  	_ = 	snop  }
0x90: {  	s2 =	sld [smem:$0x3FD0];
	(tm) =	ssettm $0x1  }
0x91: {  	s18 =	sld [smem:$0x3FFB];
	_ =	sdelay $0x3  }
0x92: {  	_ =	strace s18  }
0x93: {  	s3 =	sld [smem:$0x3FFC];
	_ =	sdelay $0x3  }
0x94: {  	_ =	strace s3  }
0x95: {  	s3 =	sld [smem:$0x3FFD];
	_ =	sdelay $0x3  }
0x96: {  	_ =	strace s3  }
0x97: {  	_ =	strace $0x8FFFFFFF  }
0x98: {  	s19 =	sld [smem:$0x3FDB];
	_ =	sdelay $0x1  }
0x99: {  	s4 =	simm.s32 $_scs_section_size  }
0x9a: {  	s5 =	simm.s32 $_size__tile_overlayer_lowered;
	s6 =	simm.s32 $_tile_overlayer_lowered  }
0x9b: {  	s22 =	simm.s32 $0x1BFF;
	s21 =	sshll.u32 s6, $0x1;
	s3 =	sadd.s32 s4, s19  }
0x9c: {  	s7 =	simm.s32 $0x0;
	s20 =	sshll.u32 s5, $0x1;
	s5 =	sadd.s32 s21, s3  }
0x9d: {  	[timem:s7], [sflag:s22] =	dma.local [hbm:s5], s20  }
0x9e: {  	_ =	swait.ge [sflag:s22], s20  }
0x9f: {  	s4 =	ssub.s32 $0x0, s20;
	[sflag:s22] =	ssyncset.done $0x0  }
0xa0: {  	[sflag:s22] =	ssyncadd.s32 s4;
	_ =	sdelay $0x1  }
0xa1: {  	s23 =	simm.s32 $0x1B8B  }
0xa2: {  	_ =	swait.ge [sflag:s23], $0x1  }
0xa3: {  	[sflag:s23] =	ssyncset.done $0x0  }
0xa4: {  	s25 =	simm.s32 $0x1B8E;
	s24 =	sld [smem:$0x3FFE];
	[sflag:s23] =	ssyncadd.s32 $0xFFFFFFFF  }
0xa5: {  	s26 =	simm.s32 $execute0_lowered;
	[smem:$0x3FD2] =	sst s25  }
0xa6: {  	s5 =	sshll.u32 s26, $0x1;
	_ =	strace $0x8000004C;
	[dreg:$0x1] =	wrdreg $0xFFFFFFFF  }
0xa7: {  	s28 =	simm.s32 $_size_execute0_lowered;
	s3 =	sadd.s32 s3, s5;
	[dreg:$0x0] =	wrdreg $0x0  }
0xa8: {  	s5 =	sshll.u32 s28, $0x1;
	[dreg:$0x2] =	wrdreg s3  }
0xa9: {  	[dreg:$0x3] =	wrdreg s5  }
0xaa: {  	[dreg:$0x4] =	wrdreg $0xC0  }
0xab: {  	_ =	task [dreg:s7], $0x5FFFF  }
0xac: {  	[dreg:$0x1] =	wrdreg $0xFFFFFFFF  }
0xad: {  	[dreg:$0x0] =	wrdreg $0x60  }
0xae: {  	[dreg:$0x2] =	wrdreg s24  }
0xaf: {  	[dreg:$0x3] =	wrdreg s2  }
0xb0: {  	[dreg:$0x4] =	wrdreg $0x0  }
0xb1: {  	[dreg:$0x5] =	wrdreg $0x78000  }
0xb2: {  	[dreg:$0x6] =	wrdreg $0x9  }
0xb3: {  	_ =	task.clear_ibuf [dreg:s7], $0x7FFFF;
	_ =	strace $0x9000004C  }
0xb4: {  	s29 =	simm.s32 $0x9;
	_ =	strace $0x8000004E  }
0xb5: {  	_ =	swait.ge [sflag:s29], $0x1  }
0xb6: {  	[sflag:s29] =	ssyncadd.s32 $0xFFFFFFFF  }
0xb7: {  	_ =	strace $0x9000004E  }
0xb8: {  	_ =	sfence  }
0xb9: {  	s30 =	sld [smem:$0x0];
	_ =	sdelay $0x2  }
0xba: {  	s31 =	sshll.u32 s1, $0xD;
	s1 =	sshrl.u32 s1, $0x2  }
0xbb: {  	s3 =	sand.u32 $0x4000, s31;
	s1 =	sadd.s32 s1, s30  }
0xbc: {  	s0 =	sor.u32 s3, s0;
	s1 =	sshll.u32 s1, $0x11  }
0xbd: {  	s0 =	sor.u32 s1, s0  }
0xbe: {  	s0 =	sadd.s32 $0x8F2B, s0  }
0xbf: {  	[sflag:s0] =	ssyncadd.remote.s32 $0x1  }
0xc0: {  	_ =	sfence.sel $0xFFFF  }
0xc1: {  	[dreg:$0x0] =	wrdreg $0xFFFFFFFF;
	(pc) =	sbr.abs _section_cstart, $3  }
0xc2: {  	[dreg:$0x1] =	wrdreg $0xFFFFFFFF  }
0xc3: {  	_ =	task.clear_ibuf [dreg:s7], $0x2FFFF;
	_ =	strace $0x9FFFFFFF  }
0xc4: {  	(tm) =	ssettm $0x7FFFFFFF  }
0xc5: {  	_ =	shalt  }
tec
execute0_lowered:
.L_overlay_start_1:
0x0: {  	(tag) =	ssettag $0x1  }
0x1: {  	s8 =	rddreg [dreg:$0x0]  }
0x2: {  	s2 =	rddreg [dreg:$0x1]  }
0x3: {  	s3 =	rddreg [dreg:$0x2]  }
0x4: {  	s4 =	rddreg [dreg:$0x3]  }
0x5: {  	s1 =	stileid.u32;
	s5 =	simm.s32 $0x0;
	s6 =	srdreg.scid  }
0x6: {  	s20 =	simm.s32 $0xF180;
	s21 =	simm.s32 $0xF000;
	s22 =	simm.s32 $0xF080  }
0x7: {  	s23 =	simm.s32 $0xF100;
	s24 =	simm.s32 $0x80;
	s7 =	smul.u32 $0x2800, s1  }
0x8: {  	s25 =	simm.s32 $0x1;
	[smem:$0x7FF] =	sst s5;
	s12 =	smul.u32 $0x14000, s1  }
0x9: {  	s14 =	sand.u32 $0x1, s6;
	s6 =	sadd.s32 $0xBE00, s8;
	s15 =	smul.u32 $0x50000, s1  }
0xa: {  	s30 =	sshll.u32 s1, $0x6;
	s19 =	sshll.u32 s1, $0x1;
	_ =	strace $0x8000004D  }
0xb: {  	s10 =	smul.u32 $0x28000, s14;
	s11 =	ssub.s32 $0x2, s14;
	s19 =	sor.u32 s14, s19  }
0xc: {  	s9 =	sadd.s32 s7, s8;
	s13 =	sshrl.u32 s11, $0x1;
	s18 =	sadd.s32 s12, s4  }
0xd: {  	s31 =	sshrl.u32 s15, $0x2;
	s10 =	sadd.s32 s7, s10;
	s7 =	sadd.s32 $0x2000, s8  }
0xe: {  	s17 =	ssub.s32 s11, s13;
	s15 =	sadd.s32 s31, s3;
	s18 =	sshrl.u32 s18, $0x3  }
0xf: {  	s16 =	sadd.s32 s10, s8;
	s8 =	sadd.s32 $0x15C00, s9;
	s9 =	sor.u32 $0x1C02, s30  }
0x10: {  	s10 =	sadd.s32 s12, s3;
	s11 =	sadd.s32 $0x4000, s15;
	s12 =	sadd.s32 $0x8000, s15  }
0x11: {  	s13 =	sadd.s32 $0xC000, s15;
	s14 =	sadd.s32 $0x10000, s15;
	s15 =	smul.u32 $0x4F, s19  }
0x12: {  	v0 =	vimm.f32 $0.0e+00;
	s17 =	smax.u32 s17, $0x1;
	s19 =	simm.s32 $0x2;
	s16 =	sadd.s32 $0x3DC00, s16  }
.LBB2_1:
0x13: {  	[spmem:s18], [sflag:s9] =	dma.local [hbm:s8], $0x2800  }
0x14: {  	_ =	swait.ge [sflag:s19], $0x2800  }
0x15: {  	[sflag:s19] =	ssyncset.done $0x0  }
0x16: {  	s26 =	simm.s32 $0x200;
	s28 =	simm.s32 $0x0;
	[sflag:s19] =	ssyncadd.s32 $0xFFFFD800  }
.LBB2_2:
0x17: {  	p0 =	sne.s32 s26, $0xFE00;
	[tilespmem:s28+$0xF1A0] =	vst v0;
	s29 =	smov.u32 s26;
	s26 =	sadd.s32 $0x200, s26  }
.Ltmp0:
0x18: {  	[tilespmem:s28+$0xF180] =	vst v0;
	(pc) =	sbr.rel @p0 .LBB2_2-.Ltmp0, $2  }
0x19: {  	[tilespmem:s28+$0xF190] =	vst v0;
	_ =	sdelay $0x2  }
0x1a: {  	s28 =	sshra.s32 s29, $0x2  }
0x1b: {  	[tilespmem:s28+$0xF1A0] =	vst v0  }
0x1c: {  	[tilespmem:s28+$0xF180] =	vst v0  }
0x1d: {  	[tilespmem:s28+$0xF190] =	vst v0  }
0x1e: {  	[spmem:s10] =	stream.linear.scatter [tilespmem:s20], [sflag:$0x2], $0x4000, $0x38;
	[tilespmem:$0x13180] =	vst v63  }
0x1f: {  	_ =	swait.ge [sflag:s19], $0x4000  }
0x20: {  	[sflag:s19] =	ssyncset.done $0x0  }
0x21: {  	[sflag:s19] =	ssyncadd.s32 $0xFFFFC000  }
0x22: {  	[spmem:s11] =	stream.linear.scatter [tilespmem:s20], [sflag:$0x2], $0x4000, $0x38;
	[tilespmem:$0x13180] =	vst v63  }
0x23: {  	_ =	swait.ge [sflag:s19], $0x4000  }
0x24: {  	[sflag:s19] =	ssyncset.done $0x0  }
0x25: {  	[sflag:s19] =	ssyncadd.s32 $0xFFFFC000  }
0x26: {  	[spmem:s12] =	stream.linear.scatter [tilespmem:s20], [sflag:$0x2], $0x4000, $0x38;
	[tilespmem:$0x13180] =	vst v63  }
0x27: {  	_ =	swait.ge [sflag:s19], $0x4000  }
0x28: {  	[sflag:s19] =	ssyncset.done $0x0  }
0x29: {  	[sflag:s19] =	ssyncadd.s32 $0xFFFFC000  }
0x2a: {  	[spmem:s13] =	stream.linear.scatter [tilespmem:s20], [sflag:$0x2], $0x4000, $0x38;
	[tilespmem:$0x13180] =	vst v63  }
0x2b: {  	_ =	swait.ge [sflag:s19], $0x4000  }
0x2c: {  	[sflag:s19] =	ssyncset.done $0x0  }
0x2d: {  	[sflag:s19] =	ssyncadd.s32 $0xFFFFC000  }
0x2e: {  	[spmem:s14] =	stream.linear.scatter [tilespmem:s20], [sflag:$0x2], $0x4000, $0x38;
	[tilespmem:$0x13180] =	vst v63  }
0x2f: {  	_ =	swait.ge [sflag:s19], $0x4000  }
0x30: {  	[sflag:s19] =	ssyncset.done $0x0  }
0x31: {  	[sflag:s19] =	ssyncadd.s32 $0xFFFFC000  }
0x32: {  	s26 =	simm.s32 $0x0;
	s28 =	simm.s32 $0x0;
	[bflag:$0x0] =	sbarrier.arrive $0xFFFF  }
.LBB2_4:
0x33: {  	s29 =	sadd.s32 s15, s28  }
0x34: {  	s29 =	sshll.u32 s29, $0x4  }
0x35: {  	s30 =	sadd.s32 s2, s29  }
0x36: {  	[tilespmem:s21], [sflag:$0x2] =	stream.linear.gather [hbm4b:s30+s26], $0x80, $0x38;
	[tilespmem:$0x13180] =	vst v63  }
0x37: {  	_ =	swait.ge [sflag:s19], $0x80  }
0x38: {  	[sflag:s19] =	ssyncset.done $0x0  }
0x39: {  	s30 =	sadd.s32 s6, s29;
	[sflag:s19] =	ssyncadd.s32 $0xFFFFFF80  }
0x3a: {  	[tilespmem:s22], [sflag:$0x2] =	stream.linear.gather [hbm4b:s30+s26], $0x80, $0x38;
	[tilespmem:$0x13180] =	vst v63  }
0x3b: {  	_ =	swait.ge [sflag:s19], $0x80  }
0x3c: {  	[sflag:s19] =	ssyncset.done $0x0  }
0x3d: {  	s29 =	sadd.s32 s7, s29;
	[sflag:s19] =	ssyncadd.s32 $0xFFFFFF80  }
0x3e: {  	v1 =	vmov s26;
	[tilespmem:s23], [sflag:$0x2] =	stream.linear.gather [hbm4b:s29+s26], $0x80, $0x38;
	[tilespmem:$0x13180] =	vst v63  }
0x3f: {  	v1 =	vand.u32 $0xFFFFFFFC, v1;
	_ =	swait.ge [sflag:s19], $0x80  }
0x40: {  	v1 =	vbroadcast v1, $0x0;
	[sflag:s19] =	ssyncset.done $0x0  }
0x41: {  	[sflag:s19] =	ssyncadd.s32 $0xFFFFFF80  }
0x42: {  	[tilespmem:s20], [sflag:$0x1] =	stream.indirect.gather [spmem:s4], $0x30, s21, s24, $0xb8;
	[tilespmem:$0x13180] =	vst v63  }
0x43: {  	_ =	swait.ge [sflag:s25], $0x1800  }
0x44: {  	[sflag:s25] =	ssyncset.done $0x0  }
0x45: {  	[sflag:s25] =	ssyncadd.s32 $0xFFFFE800  }
0x46: {  	s29 =	simm.s32 $0xF280;
	v1 =	vld.idx.msk [tilespmem:v1+s23+$0x0], $0xffff  }
0x47: {  	v2 =	vld [tilespmem:s29+$0xFFFFFF00]  }
0x48: {  	s30 =	simm.s32 $0x1;
	v3 =	vld [tilespmem:s29+$0xFFFFFF10]  }
0x49: {  	v5 =	vmov s30;
	v4 =	vld [tilespmem:s29+$0xFFFFFF20]  }
0x4a: {  	v5 =	vand.u32 $0xFFFFFFFD, v5  }
0x4b: {  	v5 =	vbroadcast v5, $0x0  }
0x4c: {  	v2 =	vmul.f32 v2, v1  }
0x4d: {  	v3 =	vmul.f32 v3, v1  }
0x4e: {  	v1 =	vmul.f32 v4, v1;
	[tilespmem:s29+$0xFFFFFF00] =	vst v2  }
0x4f: {  	[tilespmem:s29+$0xFFFFFF10] =	vst v3  }
0x50: {  	[tilespmem:s29+$0xFFFFFF20] =	vst v1;
	v2 =	vld [tilespmem:s29+$0xFFFFFF80]  }
0x51: {  	v1 =	vld.idx.msk [tilespmem:v5+s23+$0x0], $0xffff  }
0x52: {  	s30 =	simm.s32 $0x2;
	v3 =	vld [tilespmem:s29+$0xFFFFFF90]  }
0x53: {  	v4 =	vld [tilespmem:s29+$0xFFFFFFA0];
	v5 =	vmov s30  }
0x54: {  	v5 =	vand.u32 $0xFFFFFFFE, v5  }
0x55: {  	v5 =	vbroadcast v5, $0x0  }
0x56: {  	v2 =	vmul.f32 v2, v1  }
0x57: {  	v3 =	vmul.f32 v3, v1  }
0x58: {  	v1 =	vmul.f32 v4, v1;
	[tilespmem:s29+$0xFFFFFF80] =	vst v2  }
0x59: {  	[tilespmem:s29+$0xFFFFFF90] =	vst v3  }
0x5a: {  	[tilespmem:s29+$0xFFFFFFA0] =	vst v1;
	v2 =	vld [tilespmem:s29+$0x20]  }
0x5b: {  	v1 =	vld.idx.msk [tilespmem:v5+s23+$0x0], $0xffff  }
0x5c: {  	v3 =	vld [tilespmem:s29+$0x10]  }
0x5d: {  	v4 =	vld [tilespmem:s29+$0x0];
	_ =	sdelay $0x1  }
0x5e: {  	s30 =	simm.s32 $0x3  }
0x5f: {  	v5 =	vmov s30;
	v2 =	vmul.f32 v2, v1  }
0x60: {  	v3 =	vmul.f32 v3, v1  }
0x61: {  	v1 =	vmul.f32 v4, v1;
	[tilespmem:s29+$0x20] =	vst v2  }
0x62: {  	[tilespmem:s29+$0x10] =	vst v3;
	v2 =	vld [tilespmem:s29+$0x90]  }
0x63: {  	[tilespmem:s29+$0x0] =	vst v1;
	v3 =	vld [tilespmem:s29+$0x80]  }
0x64: {  	v4 =	vld.idx.msk [tilespmem:v5+s23+$0x0], $0xffff  }
0x65: {  	s30 =	simm.s32 $0x4;
	v5 =	vld [tilespmem:s29+$0xA0]  }
0x66: {  	v1 =	vmov s30  }
0x67: {  	v1 =	vand.u32 $0xFFFFFFFC, v1  }
0x68: {  	v1 =	vbroadcast v1, $0x0  }
0x69: {  	v3 =	vmul.f32 v3, v4  }
0x6a: {  	s31 =	simm.s32 $0x8;
	v2 =	vmul.f32 v2, v4;
	v4 =	vmul.f32 v5, v4  }
.LBB2_5:
0x6b: {  	p0 =	slt.u32 s31, $0x7C;
	[tilespmem:s29+$0x80] =	vst v3  }
0x6c: {  	[tilespmem:s29+$0x90] =	vst v2  }
0x6d: {  	[tilespmem:s29+$0xA0] =	vst v4  }
0x6e: {  	s29 =	sadd.s32 $0x200, s29;
	v1 =	vld.idx.msk [tilespmem:v1+s23+$0x0], $0xffff  }
0x6f: {  	v2 =	vld [tilespmem:s29+$0xFFFFFF00]  }
0x70: {  	s0 =	sadd.s32 $0x1, s30;
	v3 =	vld [tilespmem:s29+$0xFFFFFF10]  }
0x71: {  	v5 =	vmov s0;
	v4 =	vld [tilespmem:s29+$0xFFFFFF20]  }
0x72: {  	v5 =	vand.u32 $0xFFFFFFFD, v5  }
0x73: {  	v5 =	vbroadcast v5, $0x0  }
0x74: {  	v2 =	vmul.f32 v2, v1  }
0x75: {  	v3 =	vmul.f32 v3, v1  }
0x76: {  	[tilespmem:s29+$0xFFFFFF00] =	vst v2;
	v1 =	vmul.f32 v4, v1  }
0x77: {  	[tilespmem:s29+$0xFFFFFF10] =	vst v3  }
0x78: {  	[tilespmem:s29+$0xFFFFFF20] =	vst v1  }
0x79: {  	v1 =	vld.idx.msk [tilespmem:v5+s23+$0x0], $0xffff  }
0x7a: {  	v2 =	vld [tilespmem:s29+$0xFFFFFF80]  }
0x7b: {  	s0 =	sadd.s32 $0x2, s30;
	v3 =	vld [tilespmem:s29+$0xFFFFFF90]  }
0x7c: {  	v5 =	vmov s0;
	v4 =	vld [tilespmem:s29+$0xFFFFFFA0]  }
0x7d: {  	v5 =	vand.u32 $0xFFFFFFFE, v5  }
0x7e: {  	v5 =	vbroadcast v5, $0x0  }
0x7f: {  	v2 =	vmul.f32 v2, v1  }
0x80: {  	v3 =	vmul.f32 v3, v1  }
0x81: {  	[tilespmem:s29+$0xFFFFFF80] =	vst v2;
	v1 =	vmul.f32 v4, v1  }
0x82: {  	[tilespmem:s29+$0xFFFFFF90] =	vst v3  }
0x83: {  	[tilespmem:s29+$0xFFFFFFA0] =	vst v1;
	v1 =	vld [tilespmem:s29+$0x10]  }
0x84: {  	v2 =	vld.idx.msk [tilespmem:v5+s23+$0x0], $0xffff  }
0x85: {  	v3 =	vld [tilespmem:s29+$0x20]  }
0x86: {  	v4 =	vld [tilespmem:s29+$0x0];
	_ =	sdelay $0x2  }
0x87: {  	s0 =	sadd.s32 $0x3, s30;
	s30 =	smov.u32 s31  }
0x88: {  	v5 =	vmov s0;
	v1 =	vmul.f32 v1, v2;
	v3 =	vmul.f32 v3, v2  }
0x89: {  	v2 =	vmul.f32 v4, v2  }
0x8a: {  	[tilespmem:s29+$0x20] =	vst v3  }
0x8b: {  	[tilespmem:s29+$0x10] =	vst v1  }
0x8c: {  	[tilespmem:s29+$0x0] =	vst v2;
	v2 =	vld [tilespmem:s29+$0x90]  }
0x8d: {  	v4 =	vld.idx.msk [tilespmem:v5+s23+$0x0], $0xffff  }
0x8e: {  	v3 =	vld [tilespmem:s29+$0x80]  }
0x8f: {  	v5 =	vld [tilespmem:s29+$0xA0]  }
.Ltmp1:
0x90: {  	v1 =	vmov s31;
	(pc) =	sbr.rel @p0 .LBB2_5-.Ltmp1, $4  }
0x91: {  	v1 =	vand.u32 $0xFFFFFFFC, v1  }
0x92: {  	v1 =	vbroadcast v1, $0x0  }
0x93: {  	v2 =	vmul.f32 v2, v4;
	v3 =	vmul.f32 v3, v4  }
0x94: {  	s31 =	sadd.s32 $0x4, s31;
	v4 =	vmul.f32 v5, v4  }
0x95: {  	_ = 	snop  }
0x96: {  	[tilespmem:s29+$0x80] =	vst v3  }
0x97: {  	[tilespmem:s29+$0x90] =	vst v2;
	s0 =	sadd.s32 $0x200, s29  }
0x98: {  	[tilespmem:s29+$0xA0] =	vst v4;
	v2 =	vld [tilespmem:s0+$0xFFFFFF00]  }
0x99: {  	v1 =	vld.idx.msk [tilespmem:v1+s23+$0x0], $0xffff  }
0x9a: {  	s31 =	sadd.s32 $0x1, s30;
	v3 =	vld [tilespmem:s0+$0xFFFFFF10]  }
0x9b: {  	v58 =	vld [tilespmem:s0+$0xFFFFFF20];
	v5 =	vmov s31  }
0x9c: {  	v5 =	vand.u32 $0xFFFFFFFD, v5  }
0x9d: {  	v5 =	vbroadcast v5, $0x0  }
0x9e: {  	v2 =	vmul.f32 v2, v1  }
0x9f: {  	v3 =	vmul.f32 v3, v1  }
0xa0: {  	v1 =	vmul.f32 v58, v1;
	[tilespmem:s0+$0xFFFFFF00] =	vst v2  }
0xa1: {  	[tilespmem:s0+$0xFFFFFF10] =	vst v3  }
0xa2: {  	[tilespmem:s0+$0xFFFFFF20] =	vst v1;
	v2 =	vld [tilespmem:s0+$0xFFFFFF80]  }
0xa3: {  	v1 =	vld.idx.msk [tilespmem:v5+s23+$0x0], $0xffff  }
0xa4: {  	s31 =	sadd.s32 $0x2, s30;
	v3 =	vld [tilespmem:s0+$0xFFFFFF90]  }
0xa5: {  	v59 =	vld [tilespmem:s0+$0xFFFFFFA0];
	v60 =	vmov s31  }
0xa6: {  	v5 =	vand.u32 $0xFFFFFFFE, v60  }
0xa7: {  	v5 =	vbroadcast v5, $0x0  }
0xa8: {  	v2 =	vmul.f32 v2, v1  }
0xa9: {  	v3 =	vmul.f32 v3, v1  }
0xaa: {  	v1 =	vmul.f32 v59, v1;
	[tilespmem:s0+$0xFFFFFF80] =	vst v2  }
0xab: {  	[tilespmem:s0+$0xFFFFFF90] =	vst v3  }
0xac: {  	[tilespmem:s0+$0xFFFFFFA0] =	vst v1;
	v2 =	vld [tilespmem:s0+$0x20]  }
0xad: {  	v1 =	vld.idx.msk [tilespmem:v5+s23+$0x0], $0xffff  }
0xae: {  	v3 =	vld [tilespmem:s0+$0x10]  }
0xaf: {  	v61 =	vld [tilespmem:s0+$0x0];
	_ =	sdelay $0x1  }
0xb0: {  	s31 =	sadd.s32 $0x3, s30  }
0xb1: {  	v62 =	vmov s31;
	v2 =	vmul.f32 v2, v1  }
0xb2: {  	v3 =	vmul.f32 v3, v1  }
0xb3: {  	v1 =	vmul.f32 v61, v1;
	[tilespmem:s0+$0x20] =	vst v2  }
0xb4: {  	[tilespmem:s0+$0x10] =	vst v3  }
0xb5: {  	[tilespmem:s0+$0x0] =	vst v1;
	v2 =	vld [tilespmem:s0+$0x80]  }
0xb6: {  	v1 =	vld.idx.msk [tilespmem:v62+s23+$0x0], $0xffff  }
0xb7: {  	v3 =	vld [tilespmem:s0+$0x90]  }
0xb8: {  	v63 =	vld [tilespmem:s0+$0xA0];
	_ =	sdelay $0x2  }
0xb9: {  	v2 =	vmul.f32 v2, v1  }
0xba: {  	v3 =	vmul.f32 v3, v1  }
0xbb: {  	s28 =	sadd.s32 $0x1, s28;
	v1 =	vmul.f32 v63, v1;
	[tilespmem:s0+$0x80] =	vst v2  }
0xbc: {  	p0 =	sne.s32 s28, $0x4F;
	[tilespmem:s0+$0x90] =	vst v3  }
.Ltmp2:
0xbd: {  	[tilespmem:s0+$0xA0] =	vst v1;
	(pc) =	sbr.rel @p0 .LBB2_4-.Ltmp2, $4  }
0xbe: {  	[spmem:s3] =	stream.indirect.scatter.add.f32 [tilespmem:s20], [sflag:$0x2], $0x30, s22, s24, $0xb8;
	[tilespmem:$0x13180] =	vst v63  }
0xbf: {  	_ =	swait.ge [sflag:s19], $0x1800  }
0xc0: {  	[sflag:s19] =	ssyncset.done $0x0  }
0xc1: {  	[sflag:s19] =	ssyncadd.s32 $0xFFFFE800  }
0xc2: {  	s5 =	sadd.s32 $0x1, s5  }
0xc3: {  	p0 =	sne.s32 s5, s17  }
.Ltmp3:
0xc4: {  	[bflag:$0x0] =	sbarrier.arrive $0xFFFF;
	s0 =	sshrl.u32 s10, $0x3;
	(pc) =	sbr.rel @p0 .LBB2_1-.Ltmp3, $4  }
0xc5: {  	[hbm:s16], [sflag:s9] =	dma.local [spmem:s0], $0x2800  }
0xc6: {  	_ =	swait.ge [sflag:s19], $0x2800  }
0xc7: {  	[sflag:s19] =	ssyncset.done $0x0  }
0xc8: {  	[sflag:s19] =	ssyncadd.s32 $0xFFFFD800  }
0xc9: {  	_ =	sfence.sel $0x180000  }
0xca: {  	[bflag:$0x0] =	sbarrier.arrive $0xFFFF  }
0xcb: {  	_ =	strace $0x9000004D  }
0xcc: {  	[bflag:$0x2] =	sbarrier.arrive $0xFFFF  }
0xcd: {  	p0 =	sne.s32 s1, $0x0;
	s0 =	rddreg [dreg:$0x4]  }
0xce: {  	s0 =	sadd.s32 @!p0 $0x100000, s0  }
0xcf: {  	[sflag:s0] =	ssyncadd.tile.s32 @!p0 $0x1;
	_ =	shalt  }
.Lfunc_end2:
_tile_overlayer_lowered:
.L_overlay_start_2:
0xd0: {  	(tag) =	ssettag $0x2  }
0xd1: {  	s0 =	rddreg [dreg:$0x0];
	s2 =	stileid.u32  }
0xd2: {  	s1 =	rddreg [dreg:$0x1];
	p0 =	sne.s32 s2, $0x0  }
0xd3: {  	s3 =	rddreg [dreg:$0x2];
	[bflag:$0x3] =	sbarrier.arrive $0xFFFF;
	s2 =	simm.s32 @!p0 $0x1C02  }
0xd4: {  	[timem:s3], [sflag:s2] =	dma.local @!p0 [hbm:s0], s1  }
0xd5: {  	s0 =	simm.s32 @!p0 $0x2  }
0xd6: {  	_ =	swait.ge @!p0 [sflag:s0], s1  }
0xd7: {  	s1 =	ssub.s32 @!p0 $0x0, s1;
	[sflag:s0] =	ssyncset.done @!p0 $0x0  }
0xd8: {  	[sflag:s0] =	ssyncadd.s32 @!p0 s1  }
0xd9: {  	[bflag:$0x3] =	sbarrier.arrive $0xFFFF  }
0xda: {  	_ =	shalt  }

// kernel: kernel.8.cloned.1.call-start
scs
__scs_entry_jumppad:
0x0: {  	(pc) =	sbr.rel $0x88, $3  }
0x1: {  	(tag) =	ssettag $0x0;
	lr =	simm.s32 $0x1  }
0x2: {  	[smem:$0x3F9A] =	sst lr;
	_ =	strace $0xD0000000  }
0x3: {  	_ = 	snop  }
0x4: {  	_ = 	snop  }
0x5: {  	_ = 	snop  }
0x6: {  	_ = 	snop  }
0x7: {  	_ = 	snop  }
__scs_overlays_trampoline_lowered:
0x8: {  	[smem:$0x3FA9] =	sst s0  }
0x9: {  	[smem:$0x3FAA] =	sst s1  }
0xa: {  	[smem:$0x3FAB] =	sst s2  }
0xb: {  	[smem:$0x3FAC] =	sst s3  }
0xc: {  	[smem:$0x3FAD] =	sst s4  }
0xd: {  	[smem:$0x3FAE] =	sst s5  }
0xe: {  	[smem:$0x3FAF] =	sst s6  }
0xf: {  	[smem:$0x3FB0] =	sst s7  }
0x10: {  	[smem:$0x3FB1] =	sst s8  }
0x11: {  	[smem:$0x3FB2] =	sst s9;
	s0 =	simm.s32 @!p0 $0x0  }
0x12: {  	s1 =	sld [smem:$0x3F98];
	s0 =	simm.s32 @p0 $0x1  }
0x13: {  	[smem:$0x3FB3] =	sst s0;
	s0 =	simm.s32 @!p1 $0x0  }
0x14: {  	s2 =	sld [smem:$0x3F97];
	s0 =	simm.s32 @p1 $0x1  }
0x15: {  	[smem:$0x3FB4] =	sst s0;
	s0 =	simm.s32 @!p2 $0x0  }
0x16: {  	s3 =	sld [smem:$0x3FDB];
	s0 =	simm.s32 @p2 $0x1  }
0x17: {  	s4 =	simm.s32 $0x1BF5;
	[smem:$0x3FB6] =	sst s0  }
0x18: {  	s0 =	sld [smem:$0x3F99];
	_ =	swait.ge [sflag:s4], $0x0  }
0x19: {  	s7 =	sld [smem:$0x3F9A]  }
0x1a: {  	s8 =	sadd.s32 $0xFFFFE003, lr  }
0x1b: {  	s9 =	sadd.s32 $0xFFFFFEF7, lr;
	s5 =	simm.s32 $0xFFFFFFFF;
	p2 =	slt.u32 s8, $0xFFFFF086  }
0x1c: {  	p1 =	slt.u32 s9, $0xF7A;
	s5 =	simm.s32 @!p2 $0x0  }
0x1d: {  	s5 =	simm.s32 @p1 $0x1;
	p0 =	seq.s32 s7, s2  }
0x1e: {  	s7 =	smul.u32 @!p0 $0xF7A, s2;
	p2 =	seq.s32 @!p0 s5, $0x0  }
0x1f: {  	s9 =	smul.u32 $0xF7A, s1;
	s8 =	simm.s32 @!p0 $0x1BF5;
	p2 =	por !p2, p0  }
0x20: {  	[sflag:s8] =	ssyncset.s32 @!p0 $0xFFFFF086;
	s6 =	sadd.s32 @!p0 s3, s7;
	s7 =	simm.s32 @!p0 $0x108  }
0x21: {  	s3 =	sadd.s32 s3, s9;
	s6 =	sadd.s32 @!p0 $0x88, s6;
	s7 =	simm.s32 @p2 $0x1082  }
0x22: {  	[simem:s7], [sflag:s8] =	dma.local @!p0 [hbm:s6], $0xF7A  }
0x23: {  	s9 =	sor.u32 $0xD0000000, s2;
	s6 =	simm.s32 $0x108;
	_ =	swait.ge @!p0 [sflag:s8], $0x0  }
0x24: {  	s3 =	sadd.s32 $0x88, s3;
	s6 =	simm.s32 @!p1 $0x1082;
	[sflag:s4] =	ssyncset.s32 $0xFFFFF086  }
0x25: {  	[simem:s6], [sflag:s4] =	dma.local [hbm:s3], $0xF7A  }
0x26: {  	[smem:$0x3F9A] =	sst s1;
	(tag) =	ssettag s2;
	_ =	strace s9  }
0x27: {  	s1 =	sld [smem:$0x3FAA]  }
0x28: {  	s2 =	sld [smem:$0x3FAB]  }
0x29: {  	s4 =	sld [smem:$0x3FAD]  }
0x2a: {  	p0 =	seq.s32 s5, $0x0;
	s5 =	sld [smem:$0x3FAE]  }
0x2b: {  	s6 =	sld [smem:$0x3FAF]  }
0x2c: {  	s7 =	sld [smem:$0x3FB0]  }
0x2d: {  	s3 =	simm.s32 $0x108;
	s8 =	sld [smem:$0x3FB1]  }
0x2e: {  	s3 =	simm.s32 @!p0 $0x1082;
	s9 =	sld [smem:$0x3FB2]  }
0x2f: {  	lr =	sadd.s32 s0, s3;
	s0 =	sld [smem:$0x3FA9]  }
0x30: {  	s3 =	sld [smem:$0x3FAC]  }
0x31: {  	[smem:$0x3FB5] =	sst s10  }
0x32: {  	s10 =	sld [smem:$0x3FB3];
	_ =	sdelay $0x3  }
0x33: {  	p0 =	seq.s32 s10, $0x1;
	s10 =	sld [smem:$0x3FB5];
	_ =	sdelay $0x3  }
0x34: {  	[smem:$0x3FB5] =	sst s10  }
0x35: {  	s10 =	sld [smem:$0x3FB4];
	_ =	sdelay $0x3  }
0x36: {  	p1 =	seq.s32 s10, $0x1;
	s10 =	sld [smem:$0x3FB5];
	_ =	sdelay $0x3  }
0x37: {  	[smem:$0x3FB5] =	sst s10  }
0x38: {  	s10 =	sld [smem:$0x3FB6]  }
0x39: {  	_ = 	snop;
	(pc) =	sbr.ind lr, $3  }
0x3a: {  	_ = 	snop  }
0x3b: {  	_ = 	snop  }
0x3c: {  	p2 =	seq.s32 s10, $0x1;
	s10 =	sld [smem:$0x3FB5]  }
0x3d: {  	_ =	shalt  }
0x3e: {  	_ =	shalt  }
0x3f: {  	_ =	shalt  }
0x40: {  	_ =	shalt  }
0x41: {  	_ =	shalt  }
0x42: {  	_ =	shalt  }
0x43: {  	_ =	shalt  }
0x44: {  	_ =	shalt  }
0x45: {  	_ =	shalt  }
0x46: {  	_ =	shalt  }
0x47: {  	_ =	shalt  }
0x48: {  	_ =	shalt  }
0x49: {  	_ =	shalt  }
0x4a: {  	_ =	shalt  }
0x4b: {  	_ =	shalt  }
0x4c: {  	_ =	shalt  }
0x4d: {  	_ =	shalt  }
0x4e: {  	_ =	shalt  }
0x4f: {  	_ =	shalt  }
0x50: {  	_ =	shalt  }
0x51: {  	_ =	shalt  }
0x52: {  	_ =	shalt  }
0x53: {  	_ =	shalt  }
0x54: {  	_ =	shalt  }
0x55: {  	_ =	shalt  }
0x56: {  	_ =	shalt  }
0x57: {  	_ =	shalt  }
0x58: {  	_ =	shalt  }
0x59: {  	_ =	shalt  }
0x5a: {  	_ =	shalt  }
0x5b: {  	_ =	shalt  }
0x5c: {  	_ =	shalt  }
0x5d: {  	_ =	shalt  }
0x5e: {  	_ =	shalt  }
0x5f: {  	_ =	shalt  }
0x60: {  	_ =	shalt  }
0x61: {  	_ =	shalt  }
0x62: {  	_ =	shalt  }
0x63: {  	_ =	shalt  }
0x64: {  	_ =	shalt  }
0x65: {  	_ =	shalt  }
0x66: {  	_ =	shalt  }
0x67: {  	_ =	shalt  }
0x68: {  	_ =	shalt  }
0x69: {  	_ =	shalt  }
0x6a: {  	_ =	shalt  }
0x6b: {  	_ =	shalt  }
0x6c: {  	_ =	shalt  }
0x6d: {  	_ =	shalt  }
0x6e: {  	_ =	shalt  }
0x6f: {  	_ =	shalt  }
0x70: {  	_ =	shalt  }
0x71: {  	_ =	shalt  }
0x72: {  	_ =	shalt  }
0x73: {  	_ =	shalt  }
0x74: {  	_ =	shalt  }
0x75: {  	_ =	shalt  }
0x76: {  	_ =	shalt  }
0x77: {  	_ =	shalt  }
0x78: {  	_ =	shalt  }
0x79: {  	_ =	shalt  }
0x7a: {  	_ =	shalt  }
0x7b: {  	_ =	shalt  }
0x7c: {  	_ =	shalt  }
0x7d: {  	_ =	shalt  }
0x7e: {  	_ =	shalt  }
0x7f: {  	_ =	shalt  }
0x80: {  	_ =	shalt  }
0x81: {  	_ =	shalt  }
0x82: {  	_ =	shalt  }
0x83: {  	_ =	shalt  }
0x84: {  	_ =	shalt  }
0x85: {  	_ =	shalt  }
0x86: {  	_ =	shalt  }
0x87: {  	_ =	shalt  }
.Lfunc_end0:
.L_simem_size_0:
called_computation_lowered:
.L_overlay_start_0:
0x88: {  	s2 =	sld [smem:$0x3FD9]  }
0x89: {  	s3 =	sld [smem:$0x3FFE];
	_ =	sdelay $0x1  }
0x8a: {  	s1 =	srdreg.scid  }
0x8b: {  	s0 =	sand.u32 $0x1, s1  }
0x8c: {  	s16 =	sshll.u32 s0, $0xA;
	s2 =	sadd.s32 s3, s2  }
0x8d: {  	s2 =	sadd.s32 s2, s16  }
0x8e: {  	[smem:$0x3FC1] =	sst s2  }
0x8f: {  	_ = 	snop  }
0x90: {  	(tm) =	ssettm $0x1  }
0x91: {  	s17 =	sld [smem:$0x3FFB];
	_ =	sdelay $0x3  }
0x92: {  	_ =	strace s17  }
0x93: {  	s2 =	sld [smem:$0x3FFC];
	_ =	sdelay $0x3  }
0x94: {  	_ =	strace s2  }
0x95: {  	s2 =	sld [smem:$0x3FFD];
	_ =	sdelay $0x3  }
0x96: {  	_ =	strace s2  }
0x97: {  	_ =	strace $0x8FFFFFFF  }
0x98: {  	s18 =	sld [smem:$0x3FDB];
	_ =	sdelay $0x1  }
0x99: {  	s19 =	simm.s32 $_scs_section_size  }
0x9a: {  	s4 =	simm.s32 $_size__tile_overlayer_lowered;
	s5 =	simm.s32 $_tile_overlayer_lowered  }
0x9b: {  	s22 =	simm.s32 $0x1BFF;
	s21 =	sshll.u32 s5, $0x1;
	s2 =	sadd.s32 s19, s18  }
0x9c: {  	s6 =	simm.s32 $0x0;
	s20 =	sshll.u32 s4, $0x1;
	s4 =	sadd.s32 s21, s2  }
0x9d: {  	[timem:s6], [sflag:s22] =	dma.local [hbm:s4], s20  }
0x9e: {  	_ =	swait.ge [sflag:s22], s20  }
0x9f: {  	s3 =	ssub.s32 $0x0, s20;
	[sflag:s22] =	ssyncset.done $0x0  }
0xa0: {  	[sflag:s22] =	ssyncadd.s32 s3;
	_ =	sdelay $0x1  }
0xa1: {  	s23 =	simm.s32 $0x1B8B  }
0xa2: {  	_ =	swait.ge [sflag:s23], $0x1  }
0xa3: {  	[sflag:s23] =	ssyncset.done $0x0  }
0xa4: {  	s25 =	simm.s32 $0x1B8E;
	s24 =	sld [smem:$0x3FFE];
	[sflag:s23] =	ssyncadd.s32 $0xFFFFFFFF  }
0xa5: {  	s26 =	simm.s32 $execute0_lowered;
	[smem:$0x3FD2] =	sst s25  }
0xa6: {  	s4 =	sshll.u32 s26, $0x1;
	_ =	strace $0x80000046;
	[dreg:$0x1] =	wrdreg $0xFFFFFFFF  }
0xa7: {  	s28 =	simm.s32 $_size_execute0_lowered;
	s2 =	sadd.s32 s2, s4;
	[dreg:$0x0] =	wrdreg $0x0  }
0xa8: {  	s4 =	sshll.u32 s28, $0x1;
	[dreg:$0x2] =	wrdreg s2  }
0xa9: {  	[dreg:$0x3] =	wrdreg s4  }
0xaa: {  	[dreg:$0x4] =	wrdreg $0xC0  }
0xab: {  	_ =	task [dreg:s6], $0x5FFFF  }
0xac: {  	[dreg:$0x1] =	wrdreg $0xFFFFFFFF  }
0xad: {  	[dreg:$0x0] =	wrdreg $0x60  }
0xae: {  	[dreg:$0x2] =	wrdreg s24  }
0xaf: {  	[dreg:$0x3] =	wrdreg $0x0  }
0xb0: {  	[dreg:$0x4] =	wrdreg $0x9  }
0xb1: {  	_ =	task.clear_ibuf [dreg:s6], $0x5FFFF;
	_ =	strace $0x90000046  }
0xb2: {  	s29 =	simm.s32 $0x9;
	_ =	strace $0x80000048  }
0xb3: {  	_ =	swait.ge [sflag:s29], $0x1  }
0xb4: {  	[sflag:s29] =	ssyncadd.s32 $0xFFFFFFFF  }
0xb5: {  	_ =	strace $0x90000048  }
0xb6: {  	_ =	sfence  }
0xb7: {  	s30 =	sld [smem:$0x0];
	_ =	sdelay $0x2  }
0xb8: {  	s31 =	sshll.u32 s1, $0xD;
	s1 =	sshrl.u32 s1, $0x2  }
0xb9: {  	s3 =	sand.u32 $0x4000, s31;
	s1 =	sadd.s32 s1, s30  }
0xba: {  	s0 =	sor.u32 s3, s0;
	s1 =	sshll.u32 s1, $0x11  }
0xbb: {  	s0 =	sor.u32 s1, s0  }
0xbc: {  	s0 =	sadd.s32 $0x8F2B, s0  }
0xbd: {  	[sflag:s0] =	ssyncadd.remote.s32 $0x1  }
0xbe: {  	_ =	sfence.sel $0xFFFF  }
0xbf: {  	[dreg:$0x0] =	wrdreg $0xFFFFFFFF;
	(pc) =	sbr.abs _section_cstart, $3  }
0xc0: {  	[dreg:$0x1] =	wrdreg $0xFFFFFFFF  }
0xc1: {  	_ =	task.clear_ibuf [dreg:s6], $0x2FFFF;
	_ =	strace $0x9FFFFFFF  }
0xc2: {  	(tm) =	ssettm $0x7FFFFFFF  }
0xc3: {  	_ =	shalt  }
tec
execute0_lowered:
.L_overlay_start_1:
0x0: {  	(tag) =	ssettag $0x1  }
0x1: {  	s6 =	rddreg [dreg:$0x0];
	s1 =	srdreg.scid  }
0x2: {  	s0 =	stileid.u32;
	s2 =	rddreg [dreg:$0x1];
	s3 =	simm.s32 $0x0  }
0x3: {  	s14 =	simm.s32 $0x2900;
	s15 =	simm.s32 $0x1;
	s16 =	simm.s32 $0x2800  }
0x4: {  	s17 =	simm.s32 $0x2880;
	s10 =	sand.u32 $0x1, s1;
	s1 =	rddreg [dreg:$0x2]  }
0x5: {  	s18 =	simm.s32 $0x80;
	s7 =	smul.u32 $0x2800, s0;
	[smem:$0x7FF] =	sst s3  }
0x6: {  	s9 =	smul.u32 $0x50000, s0;
	s4 =	sadd.s32 $0xBE00, s6;
	s5 =	sadd.s32 $0x2000, s6  }
0x7: {  	s11 =	sshll.u32 s0, $0x1;
	s19 =	sshll.u32 s0, $0x6;
	s8 =	smul.u32 $0x28000, s10  }
0x8: {  	_ =	strace $0x80000047;
	s30 =	ssub.s32 $0x2, s10;
	s11 =	sor.u32 s10, s11  }
0x9: {  	s19 =	sor.u32 $0x1C01, s19;
	s9 =	sshrl.u32 s9, $0x2;
	s31 =	sshrl.u32 s30, $0x1  }
0xa: {  	s11 =	smul.u32 $0x4F, s11;
	s7 =	sadd.s32 s7, s8;
	s13 =	ssub.s32 s30, s31  }
0xb: {  	s12 =	sadd.s32 s7, s6;
	s6 =	sadd.s32 s9, s2;
	s13 =	smax.u32 s13, $0x1  }
0xc: {  	s7 =	sadd.s32 $0x4000, s6;
	s8 =	sadd.s32 $0x8000, s6;
	s9 =	sadd.s32 $0xC000, s6  }
0xd: {  	v0 =	vimm.f32 $0.0e+00;
	s10 =	sadd.s32 $0x10000, s6;
	s12 =	sadd.s32 $0x15C00, s12;
	s20 =	sshrl.u32 s6, $0x3  }
.LBB2_1:
0xe: {  	s21 =	simm.s32 $0x200;
	s22 =	simm.s32 $0x0  }
.LBB2_2:
0xf: {  	p0 =	sne.s32 s21, $0xFE00;
	[tilespmem:s22+$0x2900] =	vst v0;
	s22 =	smov.u32 s21;
	s21 =	sadd.s32 $0x200, s21  }
.Ltmp0:
0x10: {  	(pc) =	sbr.rel @p0 .LBB2_2-.Ltmp0, $2  }
0x11: {  	_ =	sdelay $0x2  }
0x12: {  	s22 =	sshra.s32 s22, $0x2  }
0x13: {  	[tilespmem:s22+$0x2900] =	vst v0  }
0x14: {  	[spmem:s6] =	stream.linear.scatter [tilespmem:s14], [sflag:$0x1], $0x4000, $0x38;
	[tilespmem:$0x6900] =	vst v63  }
0x15: {  	_ =	swait.ge [sflag:s15], $0x4000  }
0x16: {  	[sflag:s15] =	ssyncset.done $0x0  }
0x17: {  	[sflag:s15] =	ssyncadd.s32 $0xFFFFC000  }
0x18: {  	[spmem:s7] =	stream.linear.scatter [tilespmem:s14], [sflag:$0x1], $0x4000, $0x38;
	[tilespmem:$0x6900] =	vst v63  }
0x19: {  	_ =	swait.ge [sflag:s15], $0x4000  }
0x1a: {  	[sflag:s15] =	ssyncset.done $0x0  }
0x1b: {  	[sflag:s15] =	ssyncadd.s32 $0xFFFFC000  }
0x1c: {  	[spmem:s8] =	stream.linear.scatter [tilespmem:s14], [sflag:$0x1], $0x4000, $0x38;
	[tilespmem:$0x6900] =	vst v63  }
0x1d: {  	_ =	swait.ge [sflag:s15], $0x4000  }
0x1e: {  	[sflag:s15] =	ssyncset.done $0x0  }
0x1f: {  	[sflag:s15] =	ssyncadd.s32 $0xFFFFC000  }
0x20: {  	[spmem:s9] =	stream.linear.scatter [tilespmem:s14], [sflag:$0x1], $0x4000, $0x38;
	[tilespmem:$0x6900] =	vst v63  }
0x21: {  	_ =	swait.ge [sflag:s15], $0x4000  }
0x22: {  	[sflag:s15] =	ssyncset.done $0x0  }
0x23: {  	[sflag:s15] =	ssyncadd.s32 $0xFFFFC000  }
0x24: {  	[spmem:s10] =	stream.linear.scatter [tilespmem:s14], [sflag:$0x1], $0x4000, $0x38;
	[tilespmem:$0x6900] =	vst v63  }
0x25: {  	_ =	swait.ge [sflag:s15], $0x4000  }
0x26: {  	[sflag:s15] =	ssyncset.done $0x0  }
0x27: {  	[sflag:s15] =	ssyncadd.s32 $0xFFFFC000  }
0x28: {  	s21 =	simm.s32 $0x0;
	s22 =	simm.s32 $0x0;
	[bflag:$0x0] =	sbarrier.arrive $0xFFFF  }
.LBB2_4:
0x29: {  	s23 =	sadd.s32 s11, s22  }
0x2a: {  	s23 =	sshll.u32 s23, $0x4  }
0x2b: {  	s24 =	sadd.s32 s4, s23  }
0x2c: {  	v1 =	vmov s21;
	[tilespmem:s16], [sflag:$0x1] =	stream.linear.gather [hbm4b:s24+s21], $0x80, $0x38;
	[tilespmem:$0x6900] =	vst v63  }
0x2d: {  	v1 =	vand.u32 $0xFFFFFFFC, v1;
	_ =	swait.ge [sflag:s15], $0x80  }
0x2e: {  	v1 =	vbroadcast v1, $0x0;
	[sflag:s15] =	ssyncset.done $0x0  }
0x2f: {  	s23 =	sadd.s32 s5, s23;
	[sflag:s15] =	ssyncadd.s32 $0xFFFFFF80  }
0x30: {  	[tilespmem:s17], [sflag:$0x1] =	stream.linear.gather [hbm4b:s23+s21], $0x80, $0x38;
	[tilespmem:$0x6900] =	vst v63  }
0x31: {  	s30 =	simm.s32 $0x1;
	_ =	swait.ge [sflag:s15], $0x80  }
0x32: {  	v2 =	vmov s30;
	[sflag:s15] =	ssyncset.done $0x0  }
0x33: {  	v2 =	vand.u32 $0xFFFFFFFD, v2;
	[sflag:s15] =	ssyncadd.s32 $0xFFFFFF80  }
0x34: {  	v2 =	vbroadcast v2, $0x0;
	v1 =	vld.idx.msk [tilespmem:v1+s17+$0x0], $0xffff;
	_ =	sdelay $0x2  }
0x35: {  	s31 =	simm.s32 $0x2  }
0x36: {  	v3 =	vmov s31;
	s23 =	simm.s32 $0x2A00  }
0x37: {  	[tilespmem:s23+$0xFFFFFF00] =	vst v1;
	v1 =	vand.u32 $0xFFFFFFFE, v3  }
0x38: {  	v2 =	vld.idx.msk [tilespmem:v2+s17+$0x0], $0xffff;
	v1 =	vbroadcast v1, $0x0;
	_ =	sdelay $0x4  }
0x39: {  	[tilespmem:s23+$0xFFFFFF80] =	vst v2  }
0x3a: {  	s25 =	simm.s32 $0x3;
	v3 =	vld.idx.msk [tilespmem:v1+s17+$0x0], $0xffff  }
0x3b: {  	v1 =	vmov s25;
	_ =	sdelay $0x2  }
0x3c: {  	s24 =	simm.s32 $0x4  }
0x3d: {  	v2 =	vmov s24;
	s25 =	simm.s32 $0x8;
	[tilespmem:s23+$0x0] =	vst v3  }
.LBB2_5:
0x3e: {  	p0 =	slt.u32 s25, $0x7C;
	v2 =	vand.u32 $0xFFFFFFFC, v2;
	v1 =	vld.idx.msk [tilespmem:v1+s17+$0x0], $0xffff  }
0x3f: {  	v2 =	vbroadcast v2, $0x0;
	_ =	sdelay $0x3  }
0x40: {  	s26 =	sadd.s32 $0x1, s24  }
0x41: {  	v3 =	vmov s26;
	[tilespmem:s23+$0x80] =	vst v1  }
0x42: {  	v1 =	vld.idx.msk [tilespmem:v2+s17+$0x0], $0xffff;
	v2 =	vand.u32 $0xFFFFFFFD, v3  }
0x43: {  	v2 =	vbroadcast v2, $0x0;
	_ =	sdelay $0x3  }
0x44: {  	s26 =	sadd.s32 $0x2, s24;
	s23 =	sadd.s32 $0x200, s23  }
0x45: {  	[tilespmem:s23+$0xFFFFFF00] =	vst v1;
	v1 =	vmov s26  }
0x46: {  	v2 =	vld.idx.msk [tilespmem:v2+s17+$0x0], $0xffff;
	v1 =	vand.u32 $0xFFFFFFFE, v1  }
0x47: {  	v1 =	vbroadcast v1, $0x0;
	_ =	sdelay $0x4  }
0x48: {  	[tilespmem:s23+$0xFFFFFF80] =	vst v2  }
0x49: {  	v3 =	vld.idx.msk [tilespmem:v1+s17+$0x0], $0xffff  }
0x4a: {  	s26 =	sadd.s32 $0x3, s24;
	s24 =	smov.u32 s25  }
.Ltmp1:
0x4b: {  	v1 =	vmov s26;
	(pc) =	sbr.rel @p0 .LBB2_5-.Ltmp1, $2  }
0x4c: {  	_ =	sdelay $0x2  }
0x4d: {  	s25 =	sadd.s32 $0x4, s25;
	v2 =	vmov s24;
	[tilespmem:s23+$0x0] =	vst v3  }
0x4e: {  	_ =	sdelay $0x2  }
0x4f: {  	v2 =	vand.u32 $0xFFFFFFFC, v2  }
0x50: {  	v1 =	vld.idx.msk [tilespmem:v1+s17+$0x0], $0xffff;
	v2 =	vbroadcast v2, $0x0;
	_ =	sdelay $0x2  }
0x51: {  	s25 =	sadd.s32 $0x1, s24  }
0x52: {  	v3 =	vmov s25  }
0x53: {  	[tilespmem:s23+$0x80] =	vst v1;
	v1 =	vand.u32 $0xFFFFFFFD, v3  }
0x54: {  	v1 =	vbroadcast v1, $0x0;
	v2 =	vld.idx.msk [tilespmem:v2+s17+$0x0], $0xffff;
	_ =	sdelay $0x2  }
0x55: {  	s29 =	sadd.s32 $0x2, s24  }
0x56: {  	s30 =	sadd.s32 $0x200, s23;
	v3 =	vmov s29  }
0x57: {  	[tilespmem:s30+$0xFFFFFF00] =	vst v2;
	v2 =	vand.u32 $0xFFFFFFFE, v3  }
0x58: {  	v1 =	vld.idx.msk [tilespmem:v1+s17+$0x0], $0xffff;
	v2 =	vbroadcast v2, $0x0;
	_ =	sdelay $0x4  }
0x59: {  	[tilespmem:s30+$0xFFFFFF80] =	vst v1  }
0x5a: {  	s31 =	sadd.s32 $0x3, s24;
	v1 =	vld.idx.msk [tilespmem:v2+s17+$0x0], $0xffff  }
0x5b: {  	v2 =	vmov s31;
	_ =	sdelay $0x3  }
0x5c: {  	[tilespmem:s30+$0x0] =	vst v1  }
0x5d: {  	v1 =	vld.idx.msk [tilespmem:v2+s17+$0x0], $0xffff;
	_ =	sdelay $0x2  }
0x5e: {  	s22 =	sadd.s32 $0x1, s22  }
0x5f: {  	p0 =	sne.s32 s22, $0x4F  }
.Ltmp2:
0x60: {  	[tilespmem:s30+$0x80] =	vst v1;
	(pc) =	sbr.rel @p0 .LBB2_4-.Ltmp2, $4  }
0x61: {  	[spmem:s2] =	stream.indirect.scatter.add.f32 [tilespmem:s14], [sflag:$0x1], $0x10, s16, s18, $0xb8;
	[tilespmem:$0x6900] =	vst v63  }
0x62: {  	_ =	swait.ge [sflag:s15], $0x800  }
0x63: {  	[sflag:s15] =	ssyncset.done $0x0  }
0x64: {  	[sflag:s15] =	ssyncadd.s32 $0xFFFFF800  }
0x65: {  	s3 =	sadd.s32 $0x1, s3  }
0x66: {  	p0 =	sne.s32 s3, s13  }
.Ltmp3:
0x67: {  	[bflag:$0x0] =	sbarrier.arrive $0xFFFF;
	(pc) =	sbr.rel @p0 .LBB2_1-.Ltmp3, $4  }
0x68: {  	[hbm:s12], [sflag:s19] =	dma.local [spmem:s20], $0x2800  }
0x69: {  	_ =	swait.ge [sflag:s15], $0x2800  }
0x6a: {  	[sflag:s15] =	ssyncset.done $0x0  }
0x6b: {  	[sflag:s15] =	ssyncadd.s32 $0xFFFFD800  }
0x6c: {  	_ =	sfence.sel $0x180000  }
0x6d: {  	[bflag:$0x0] =	sbarrier.arrive $0xFFFF  }
0x6e: {  	p0 =	sne.s32 s0, $0x0;
	_ =	strace $0x90000047  }
0x6f: {  	s0 =	sadd.s32 @!p0 $0x100000, s1;
	[bflag:$0x2] =	sbarrier.arrive $0xFFFF  }
0x70: {  	[sflag:s0] =	ssyncadd.tile.s32 @!p0 $0x1;
	_ =	shalt  }
.Lfunc_end2:
_tile_overlayer_lowered:
.L_overlay_start_2:
0x71: {  	(tag) =	ssettag $0x2  }
0x72: {  	s0 =	rddreg [dreg:$0x0];
	s2 =	stileid.u32  }
0x73: {  	s1 =	rddreg [dreg:$0x1];
	p0 =	sne.s32 s2, $0x0  }
0x74: {  	s3 =	rddreg [dreg:$0x2];
	[bflag:$0x3] =	sbarrier.arrive $0xFFFF;
	s2 =	simm.s32 @!p0 $0x1C01  }
0x75: {  	[timem:s3], [sflag:s2] =	dma.local @!p0 [hbm:s0], s1  }
0x76: {  	s0 =	simm.s32 @!p0 $0x1  }
0x77: {  	_ =	swait.ge @!p0 [sflag:s0], s1  }
0x78: {  	s1 =	ssub.s32 @!p0 $0x0, s1;
	[sflag:s0] =	ssyncset.done @!p0 $0x0  }
0x79: {  	[sflag:s0] =	ssyncadd.s32 @!p0 s1  }
0x7a: {  	[bflag:$0x3] =	sbarrier.arrive $0xFFFF  }
0x7b: {  	_ =	shalt  }

</sc_bundles>
